<compile_context>
chip_gen: v7x
topology: tpu7x:2x2x1
jax: 0.10.2.dev20260603
libtpu: 0.0.44.dev20260713+nightly
codegen_flags: <defaults>
</compile_context>

<pallas_src>
import functools

import jax
import jax.numpy as jnp
from jax import lax
from jax.experimental import pallas as pl
from jax.experimental.pallas import tpu as pltpu
from jax.experimental.pallas import tpu_sc as plsc

N = 10000
E = 320000
D = 128
ALPHA = 0.1
BETA = 0.5

NC = 2
NS = 16
NT = NC * NS
EPT = E // NT
CHUNK = 80
NCHUNK = EPT // CHUNK
NP = 10240
RPT = NP // NS
ZROWS = 128
CH = 100
NCH = EPT // CH
RING = 10
NGRP = NCH // RING


def _sc_mesh():
    return plsc.VectorSubcoreMesh(core_axis_name="c", subcore_axis_name="s")


def _deg_partials(dst, zeros16, ones16):

    @functools.partial(
        pl.kernel,
        out_type=jax.ShapeDtypeStruct((NC, NS, RPT, 16), jnp.float32),
        mesh=_sc_mesh(),
        scratch_types=[
            pltpu.VMEM((NCHUNK, CHUNK), jnp.int32),
            pltpu.VMEM((CHUNK, 16), jnp.float32),
            pltpu.VMEM_SHARED((NP, 16), jnp.float32),
            pltpu.SemaphoreType.DMA,
        ],
        compiler_params=pltpu.CompilerParams(use_tc_tiling_on_sc=False),
    )
    def k(dst_hbm, z_hbm, one_hbm, out_hbm, idx_v, ones_v, deg_sh, sem):
        c = lax.axis_index("c")
        s = lax.axis_index("s")
        tid = c * NS + s
        pltpu.sync_copy(z_hbm, deg_sh.at[pl.ds(s * RPT, RPT)])
        pltpu.sync_copy(one_hbm, ones_v)
        pltpu.sync_copy(dst_hbm.at[tid], idx_v)
        plsc.subcore_barrier()

        @pl.loop(0, NCHUNK - NCHUNK % 8, step=8)
        def _(j):
            descs = [pltpu.async_copy(ones_v, deg_sh.at[idx_v.at[j + k]], sem,
                                      add=True) for k in range(8)]
            for d in descs:
                d.wait()

        descs = [pltpu.async_copy(ones_v,
                                  deg_sh.at[idx_v.at[NCHUNK - NCHUNK % 8 + k]],
                                  sem, add=True) for k in range(NCHUNK % 8)]
        for d in descs:
            d.wait()

        plsc.subcore_barrier()
        pltpu.sync_copy(deg_sh.at[pl.ds(s * RPT, RPT)], out_hbm.at[c, s])

    return k(dst, zeros16, ones16)


def _scale_tc(deg16, features):
    BLK = 1000

    def body(d_ref, f_ref, h_ref, n_ref):
        degs = d_ref[0, :, 0] + d_ref[1, :, 0]
        norm = lax.rsqrt(jnp.maximum(degs, 1.0))
        h_ref[...] = f_ref[...] * norm[:, None]
        n_ref[...] = ((1.0 - ALPHA) * norm)[:, None]

    return pl.pallas_call(
        body,
        grid=(N // BLK,),
        in_specs=[
            pl.BlockSpec((NC, BLK, 16), lambda i: (0, i, 0)),
            pl.BlockSpec((BLK, D), lambda i: (i, 0)),
        ],
        out_specs=[
            pl.BlockSpec((BLK, D), lambda i: (i, 0)),
            pl.BlockSpec((BLK, 1), lambda i: (i, 0)),
        ],
        out_shape=[
            jax.ShapeDtypeStruct((N, D), jnp.float32),
            jax.ShapeDtypeStruct((N, 1), jnp.float32),
        ],
    )(deg16, features)


def _agg_partials(h, src, dst, zeros128):

    @functools.partial(
        pl.kernel,
        out_type=jax.ShapeDtypeStruct((NC, NS, RPT, D), jnp.float32),
        mesh=_sc_mesh(),
        scratch_types=[
            pltpu.VMEM((2, RING, CH), jnp.int32),
            pltpu.VMEM((2, RING, CH), jnp.int32),
            pltpu.VMEM((CH, D), jnp.float32),
            pltpu.VMEM((CH, D), jnp.float32),
            pltpu.VMEM_SHARED((NP, D), jnp.float32),
            pltpu.SemaphoreType.DMA,
            pltpu.SemaphoreType.DMA,
            pltpu.SemaphoreType.DMA,
            pltpu.SemaphoreType.DMA,
            pltpu.SemaphoreType.DMA,
        ],
        compiler_params=pltpu.CompilerParams(use_tc_tiling_on_sc=False,
                                             needs_layout_passes=False),
    )
    def k(h_hbm, src_hbm, dst_hbm, z_hbm, out_hbm,
          sring, dring, pk0, pk1, agg_sh,
          sem0, sem1, semr, semsc0, semsc1):
        c = lax.axis_index("c")
        s = lax.axis_index("s")
        tid = c * NS + s

        zd = [pltpu.async_copy(z_hbm,
                               agg_sh.at[pl.ds(s * RPT + j * ZROWS, ZROWS)],
                               semr)
              for j in range(RPT // ZROWS)]
        zd.append(pltpu.async_copy(src_hbm.at[tid, 0], sring.at[0], semr))
        zd.append(pltpu.async_copy(dst_hbm.at[tid, 0], dring.at[0], semr))
        for d in zd:
            d.wait()
        plsc.subcore_barrier()

        pltpu.async_copy(h_hbm.at[sring.at[0, 0]], pk0, sem0)

        @pl.loop(0, NCH, step=2)
        def _(i):
            g = i // RING
            slot = g % 2
            j = i % RING

            pltpu.make_async_copy(h_hbm.at[sring.at[slot, j]], pk0, sem0).wait()

            @pl.when(jnp.logical_and(j == 0, g + 1 < NGRP))
            def _():
                pltpu.async_copy(src_hbm.at[tid, g + 1], sring.at[1 - slot], semr)
                pltpu.async_copy(dst_hbm.at[tid, g + 1], dring.at[1 - slot], semr)

            @pl.when(i >= 2)
            def _():
                pltpu.make_async_copy(pk1, agg_sh.at[dring.at[0, 0]],
                                      semsc1).wait()

            pltpu.async_copy(h_hbm.at[sring.at[slot, j + 1]], pk1, sem1)
            pltpu.async_copy(pk0, agg_sh.at[dring.at[slot, j]], semsc0,
                             add=True)

            g2 = (i + 2) // RING
            slot2 = g2 % 2
            j2 = (i + 2) % RING

            @pl.when(jnp.logical_and(j2 == 0, g2 < NGRP))
            def _():
                pltpu.make_async_copy(src_hbm.at[tid, 0], sring.at[0], semr).wait()
                pltpu.make_async_copy(dst_hbm.at[tid, 0], dring.at[0], semr).wait()

            @pl.when(g2 < NGRP)
            def _():
                pltpu.make_async_copy(pk0, agg_sh.at[dring.at[0, 0]],
                                      semsc0).wait()
                pltpu.async_copy(h_hbm.at[sring.at[slot2, j2]], pk0, sem0)

            pltpu.make_async_copy(h_hbm.at[sring.at[slot, j + 1]], pk1, sem1).wait()
            pltpu.async_copy(pk1, agg_sh.at[dring.at[slot, j + 1]], semsc1,
                             add=True)

        pltpu.make_async_copy(pk0, agg_sh.at[dring.at[0, 0]], semsc0).wait()
        pltpu.make_async_copy(pk1, agg_sh.at[dring.at[0, 0]], semsc1).wait()
        plsc.subcore_barrier()
        pltpu.sync_copy(agg_sh.at[pl.ds(s * RPT, RPT)], out_hbm.at[c, s])

    return k(h, src, dst, zeros128)


def _combine_tc(aggp, normc, init, M1, M2):
    BLK = 1000

    def body(a_ref, n_ref, i_ref, m1_ref, m2_ref, o_ref):
        h2 = (a_ref[0] + a_ref[1]) * n_ref[...]
        o_ref[...] = (
            jnp.dot(h2, m1_ref[...], preferred_element_type=jnp.float32,
                    precision=lax.Precision.HIGHEST)
            + jnp.dot(i_ref[...], m2_ref[...], preferred_element_type=jnp.float32,
                      precision=lax.Precision.HIGHEST)
        )

    return pl.pallas_call(
        body,
        grid=(N // BLK,),
        in_specs=[
            pl.BlockSpec((NC, BLK, D), lambda i: (0, i, 0)),
            pl.BlockSpec((BLK, 1), lambda i: (i, 0)),
            pl.BlockSpec((BLK, D), lambda i: (i, 0)),
            pl.BlockSpec((D, D), lambda i: (0, 0)),
            pl.BlockSpec((D, D), lambda i: (0, 0)),
        ],
        out_specs=pl.BlockSpec((BLK, D), lambda i: (i, 0)),
        out_shape=jax.ShapeDtypeStruct((N, D), jnp.float32),
    )(aggp, normc, init, M1, M2)


def kernel(features, edge_index, initial_features, W1, W2):
    src_a = edge_index[0].reshape(NT, NGRP, RING, CH)
    dst_a = edge_index[1].reshape(NT, NGRP, RING, CH)
    dst_d = edge_index[1].reshape(NT, NCHUNK, CHUNK)
    eye = jnp.eye(D, dtype=jnp.float32)
    M1 = (1.0 - BETA) * eye + BETA * W1.T
    M2 = ALPHA * ((1.0 - BETA) * eye + BETA * W2.T)

    zeros16 = jnp.zeros((RPT, 16), jnp.float32)
    ones16 = jnp.ones((CHUNK, 16), jnp.float32)
    zeros128 = jnp.zeros((ZROWS, D), jnp.float32)

    deg16 = _deg_partials(dst_d, zeros16, ones16).reshape(NC, NP, 16)
    h, normc = _scale_tc(deg16, features)
    aggp = _agg_partials(h, src_a, dst_a, zeros128).reshape(NC, NP, D)
    return _combine_tc(aggp, normc, initial_features, M1, M2)

# --- scband reference (transcript-rebuilt; emitter-appended) ---
"""Pipeline reference for scband-gcniivariant-layer-26834955666037 (READ-ONLY COPY).

The authoritative reference and input builder live on the scoring server;
editing this copy changes nothing except your own understanding.
"""

import jax, jax.numpy as jnp
import numpy as np

N = 10000
E = 320000
D = 128
ALPHA = 0.1
BETA = 0.5


def setup_inputs(seed: int = 0) -> dict:
    key = jax.random.key(seed)
    k1, k2, k3, k4, k5 = jax.random.split(key, 5)
    features = jax.random.normal(k1, (N, D), dtype=jnp.float32)
    initial_features = jax.random.normal(k2, (N, D), dtype=jnp.float32)
    edge_index = jax.random.randint(k3, (2, E), 0, N, dtype=jnp.int32)
    # xavier_uniform with gain=1 (activation=None): limit = sqrt(6/(fan_in+fan_out))
    lim = float(np.sqrt(6.0 / (D + D)))
    W1 = jax.random.uniform(k4, (D, D), dtype=jnp.float32, minval=-lim, maxval=lim)
    W2 = jax.random.uniform(k5, (D, D), dtype=jnp.float32, minval=-lim, maxval=lim)
    return {"features": features, "edge_index": edge_index, "initial_features": initial_features, "W1": W1, "W2": W2}


def reference(features, edge_index, initial_features, W1, W2):
    src = edge_index[0]
    dst = edge_index[1]
    # in-degree based symmetric norm (DGL in_degrees), clamp(min=1)
    degs = jnp.zeros((N,), dtype=jnp.float32).at[dst].add(1.0)
    degs = jnp.clip(degs, 1.0, None)
    norm = jnp.power(degs, -0.5)[:, None]
    h = features * norm
    # update_all(u_mul_e('h','w','m'), sum('m','h')) with w == 1: scatter-add of h[src] into dst
    agg = jnp.zeros((N, D), dtype=features.dtype).at[dst].add(h[src])
    h = agg * norm
    h = (1.0 - ALPHA) * h
    h = (1.0 - BETA) * h + BETA * (h @ W1.T)
    # activation is None
    ifeatures = ALPHA * initial_features
    h = h + (1.0 - BETA) * ifeatures + BETA * (ifeatures @ W2.T)
    return h

if __name__ == "__main__":
    import jax
    _d = setup_inputs()
    print(jax.jit(kernel)(*tuple(_d.values())))

</pallas_src>

<mosaic_0001>
#map = affine_map<(d0, d1) -> (0, 0)>
#map1 = affine_map<(d0, d1) -> (0, 0, 0, 0)>
module attributes {stable_mosaic.version = 14 : i64} {
  func.func @k(%arg0: i32, %arg1: i32, %arg2: memref<10000x128xf32, #tpu.memory_space<hbm>>, %arg3: memref<32x10x10x100xi32, #tpu.memory_space<hbm>>, %arg4: memref<32x10x10x100xi32, #tpu.memory_space<hbm>>, %arg5: memref<128x128xf32, #tpu.memory_space<hbm>>, %arg6: memref<2x16x640x128xf32, #tpu.memory_space<hbm>>, %arg7: memref<2x10x100xi32, #tpu.memory_space<vmem>>, %arg8: memref<2x10x100xi32, #tpu.memory_space<vmem>>, %arg9: memref<100x128xf32, #tpu.memory_space<vmem>>, %arg10: memref<100x128xf32, #tpu.memory_space<vmem>>, %arg11: memref<10240x128xf32, #tpu.memory_space<vmem_shared>>, %arg12: memref<!tpu.dma_semaphore, #tpu.memory_space<semaphore_mem>>, %arg13: memref<!tpu.dma_semaphore, #tpu.memory_space<semaphore_mem>>, %arg14: memref<!tpu.dma_semaphore, #tpu.memory_space<semaphore_mem>>, %arg15: memref<!tpu.dma_semaphore, #tpu.memory_space<semaphore_mem>>, %arg16: memref<!tpu.dma_semaphore, #tpu.memory_space<semaphore_mem>>) attributes {dimension_semantics = [#tpu.dimension_semantics<core_parallel>, #tpu.dimension_semantics<subcore_parallel>], iteration_bounds = array<i64: 2, 16>, scalar_prefetch = 0 : i64, scratch_operands = 10 : i64, tpu.core_type = #tpu.core_type<sc_vector_subcore>, window_params = [{transform_indices = #map}, {transform_indices = #map1}, {transform_indices = #map1}, {transform_indices = #map}, {transform_indices = #map1}]} {
    %mul3A = arith.constant 16 : i32
    %mul3A_0 = arith.muli %arg0, %mul3A : i32
    %add3A = arith.addi %mul3A_0, %arg1 : i32
    %mul3A_1 = arith.constant 640 : i32
    %mul3A_2 = arith.muli %arg1, %mul3A_1 : i32
    %add3A_3 = arith.constant 0 : i32
    %add3A_4 = arith.addi %mul3A_2, %add3A_3 : i32
    %dma_start3A = arith.constant 0 : i32
    %dma_start3A_5 = tpu.memref_slice %arg11[%add3A_4, %dma_start3A] : memref<10240x128xf32, #tpu.memory_space<vmem_shared>> -> memref<128x128xf32, #tpu.memory_space<vmem_shared>>
    tpu.enqueue_dma source(%arg5 : memref<128x128xf32, #tpu.memory_space<hbm>>) target(%dma_start3A_5 : memref<128x128xf32, #tpu.memory_space<vmem_shared>>) target_semaphore(%arg14 : memref<!tpu.dma_semaphore, #tpu.memory_space<semaphore_mem>>)
    %mul3A_6 = arith.constant 640 : i32
    %mul3A_7 = arith.muli %arg1, %mul3A_6 : i32
    %add3A_8 = arith.constant 128 : i32
    %add3A_9 = arith.addi %mul3A_7, %add3A_8 : i32
    %dma_start3A_10 = arith.constant 0 : i32
    %dma_start3A_11 = tpu.memref_slice %arg11[%add3A_9, %dma_start3A_10] : memref<10240x128xf32, #tpu.memory_space<vmem_shared>> -> memref<128x128xf32, #tpu.memory_space<vmem_shared>>
    tpu.enqueue_dma source(%arg5 : memref<128x128xf32, #tpu.memory_space<hbm>>) target(%dma_start3A_11 : memref<128x128xf32, #tpu.memory_space<vmem_shared>>) target_semaphore(%arg14 : memref<!tpu.dma_semaphore, #tpu.memory_space<semaphore_mem>>)
    %mul3A_12 = arith.constant 640 : i32
    %mul3A_13 = arith.muli %arg1, %mul3A_12 : i32
    %add3A_14 = arith.constant 256 : i32
    %add3A_15 = arith.addi %mul3A_13, %add3A_14 : i32
    %dma_start3A_16 = arith.constant 0 : i32
    %dma_start3A_17 = tpu.memref_slice %arg11[%add3A_15, %dma_start3A_16] : memref<10240x128xf32, #tpu.memory_space<vmem_shared>> -> memref<128x128xf32, #tpu.memory_space<vmem_shared>>
    tpu.enqueue_dma source(%arg5 : memref<128x128xf32, #tpu.memory_space<hbm>>) target(%dma_start3A_17 : memref<128x128xf32, #tpu.memory_space<vmem_shared>>) target_semaphore(%arg14 : memref<!tpu.dma_semaphore, #tpu.memory_space<semaphore_mem>>)
    %mul3A_18 = arith.constant 640 : i32
    %mul3A_19 = arith.muli %arg1, %mul3A_18 : i32
    %add3A_20 = arith.constant 384 : i32
    %add3A_21 = arith.addi %mul3A_19, %add3A_20 : i32
    %dma_start3A_22 = arith.constant 0 : i32
    %dma_start3A_23 = tpu.memref_slice %arg11[%add3A_21, %dma_start3A_22] : memref<10240x128xf32, #tpu.memory_space<vmem_shared>> -> memref<128x128xf32, #tpu.memory_space<vmem_shared>>
    tpu.enqueue_dma source(%arg5 : memref<128x128xf32, #tpu.memory_space<hbm>>) target(%dma_start3A_23 : memref<128x128xf32, #tpu.memory_space<vmem_shared>>) target_semaphore(%arg14 : memref<!tpu.dma_semaphore, #tpu.memory_space<semaphore_mem>>)
    %mul3A_24 = arith.constant 640 : i32
    %mul3A_25 = arith.muli %arg1, %mul3A_24 : i32
    %add3A_26 = arith.constant 512 : i32
    %add3A_27 = arith.addi %mul3A_25, %add3A_26 : i32
    %dma_start3A_28 = arith.constant 0 : i32
    %dma_start3A_29 = tpu.memref_slice %arg11[%add3A_27, %dma_start3A_28] : memref<10240x128xf32, #tpu.memory_space<vmem_shared>> -> memref<128x128xf32, #tpu.memory_space<vmem_shared>>
    tpu.enqueue_dma source(%arg5 : memref<128x128xf32, #tpu.memory_space<hbm>>) target(%dma_start3A_29 : memref<128x128xf32, #tpu.memory_space<vmem_shared>>) target_semaphore(%arg14 : memref<!tpu.dma_semaphore, #tpu.memory_space<semaphore_mem>>)
    %dma_start3A_30 = arith.constant 0 : i32
    %dma_start3A_31 = arith.constant 0 : i32
    %dma_start3A_32 = arith.constant 0 : i32
    %dma_start3A_33 = arith.constant 0 : i32
    %dma_start3A_34 = tpu.memref_slice %arg7[%dma_start3A_31, %dma_start3A_32, %dma_start3A_33] : memref<2x10x100xi32, #tpu.memory_space<vmem>> -> memref<1x10x100xi32, #tpu.memory_space<vmem>>
    %dma_start3A_35 = tpu.memref_squeeze %dma_start3A_34 : memref<1x10x100xi32, #tpu.memory_space<vmem>> -> memref<10x100xi32, #tpu.memory_space<vmem>>
    %dma_start3A_36 = arith.constant 0 : i32
    %dma_start3A_37 = arith.constant 0 : i32
    %dma_start3A_38 = tpu.memref_slice %arg3[%add3A, %dma_start3A_30, %dma_start3A_36, %dma_start3A_37] : memref<32x10x10x100xi32, #tpu.memory_space<hbm>> -> memref<1x1x10x100xi32, #tpu.memory_space<hbm>>
    %dma_start3A_39 = tpu.memref_squeeze %dma_start3A_38 : memref<1x1x10x100xi32, #tpu.memory_space<hbm>> -> memref<10x100xi32, #tpu.memory_space<hbm>>
    %dma_start3A_40 = arith.constant 0 : i32
    %dma_start3A_41 = arith.constant 0 : i32
    %dma_start3A_42 = tpu.memref_slice %arg7[%dma_start3A_31, %dma_start3A_40, %dma_start3A_41] : memref<2x10x100xi32, #tpu.memory_space<vmem>> -> memref<1x10x100xi32, #tpu.memory_space<vmem>>
    %dma_start3A_43 = tpu.memref_squeeze %dma_start3A_42 : memref<1x10x100xi32, #tpu.memory_space<vmem>> -> memref<10x100xi32, #tpu.memory_space<vmem>>
    %dma_start3A_44 = arith.constant 0 : i32
    %dma_start3A_45 = arith.constant 0 : i32
    %dma_start3A_46 = tpu.memref_slice %arg3[%add3A, %dma_start3A_30, %dma_start3A_44, %dma_start3A_45] : memref<32x10x10x100xi32, #tpu.memory_space<hbm>> -> memref<1x1x10x100xi32, #tpu.memory_space<hbm>>
    %dma_start3A_47 = tpu.memref_squeeze %dma_start3A_46 : memref<1x1x10x100xi32, #tpu.memory_space<hbm>> -> memref<10x100xi32, #tpu.memory_space<hbm>>
    tpu.enqueue_dma source(%dma_start3A_47 : memref<10x100xi32, #tpu.memory_space<hbm>>) target(%dma_start3A_43 : memref<10x100xi32, #tpu.memory_space<vmem>>) target_semaphore(%arg14 : memref<!tpu.dma_semaphore, #tpu.memory_space<semaphore_mem>>)
    %dma_start3A_48 = arith.constant 0 : i32
    %dma_start3A_49 = arith.constant 0 : i32
    %dma_start3A_50 = arith.constant 0 : i32
    %dma_start3A_51 = arith.constant 0 : i32
    %dma_start3A_52 = tpu.memref_slice %arg8[%dma_start3A_49, %dma_start3A_50, %dma_start3A_51] : memref<2x10x100xi32, #tpu.memory_space<vmem>> -> memref<1x10x100xi32, #tpu.memory_space<vmem>>
    %dma_start3A_53 = tpu.memref_squeeze %dma_start3A_52 : memref<1x10x100xi32, #tpu.memory_space<vmem>> -> memref<10x100xi32, #tpu.memory_space<vmem>>
    %dma_start3A_54 = arith.constant 0 : i32
    %dma_start3A_55 = arith.constant 0 : i32
    %dma_start3A_56 = tpu.memref_slice %arg4[%add3A, %dma_start3A_48, %dma_start3A_54, %dma_start3A_55] : memref<32x10x10x100xi32, #tpu.memory_space<hbm>> -> memref<1x1x10x100xi32, #tpu.memory_space<hbm>>
    %dma_start3A_57 = tpu.memref_squeeze %dma_start3A_56 : memref<1x1x10x100xi32, #tpu.memory_space<hbm>> -> memref<10x100xi32, #tpu.memory_space<hbm>>
    %dma_start3A_58 = arith.constant 0 : i32
    %dma_start3A_59 = arith.constant 0 : i32
    %dma_start3A_60 = tpu.memref_slice %arg8[%dma_start3A_49, %dma_start3A_58, %dma_start3A_59] : memref<2x10x100xi32, #tpu.memory_space<vmem>> -> memref<1x10x100xi32, #tpu.memory_space<vmem>>
    %dma_start3A_61 = tpu.memref_squeeze %dma_start3A_60 : memref<1x10x100xi32, #tpu.memory_space<vmem>> -> memref<10x100xi32, #tpu.memory_space<vmem>>
    %dma_start3A_62 = arith.constant 0 : i32
    %dma_start3A_63 = arith.constant 0 : i32
    %dma_start3A_64 = tpu.memref_slice %arg4[%add3A, %dma_start3A_48, %dma_start3A_62, %dma_start3A_63] : memref<32x10x10x100xi32, #tpu.memory_space<hbm>> -> memref<1x1x10x100xi32, #tpu.memory_space<hbm>>
    %dma_start3A_65 = tpu.memref_squeeze %dma_start3A_64 : memref<1x1x10x100xi32, #tpu.memory_space<hbm>> -> memref<10x100xi32, #tpu.memory_space<hbm>>
    tpu.enqueue_dma source(%dma_start3A_65 : memref<10x100xi32, #tpu.memory_space<hbm>>) target(%dma_start3A_61 : memref<10x100xi32, #tpu.memory_space<vmem>>) target_semaphore(%arg14 : memref<!tpu.dma_semaphore, #tpu.memory_space<semaphore_mem>>)
    %dma_wait3A = arith.constant 0 : i32
    %dma_wait3A_66 = tpu.memref_slice %arg11[%add3A_4, %dma_wait3A] : memref<10240x128xf32, #tpu.memory_space<vmem_shared>> -> memref<128x128xf32, #tpu.memory_space<vmem_shared>>
    tpu.wait_dma2 semaphore(%arg14 : memref<!tpu.dma_semaphore, #tpu.memory_space<semaphore_mem>>) src(%arg5 : memref<128x128xf32, #tpu.memory_space<hbm>>) dst(%dma_wait3A_66 : memref<128x128xf32, #tpu.memory_space<vmem_shared>>)
    %dma_wait3A_67 = arith.constant 0 : i32
    %dma_wait3A_68 = tpu.memref_slice %arg11[%add3A_9, %dma_wait3A_67] : memref<10240x128xf32, #tpu.memory_space<vmem_shared>> -> memref<128x128xf32, #tpu.memory_space<vmem_shared>>
    tpu.wait_dma2 semaphore(%arg14 : memref<!tpu.dma_semaphore, #tpu.memory_space<semaphore_mem>>) src(%arg5 : memref<128x128xf32, #tpu.memory_space<hbm>>) dst(%dma_wait3A_68 : memref<128x128xf32, #tpu.memory_space<vmem_shared>>)
    %dma_wait3A_69 = arith.constant 0 : i32
    %dma_wait3A_70 = tpu.memref_slice %arg11[%add3A_15, %dma_wait3A_69] : memref<10240x128xf32, #tpu.memory_space<vmem_shared>> -> memref<128x128xf32, #tpu.memory_space<vmem_shared>>
    tpu.wait_dma2 semaphore(%arg14 : memref<!tpu.dma_semaphore, #tpu.memory_space<semaphore_mem>>) src(%arg5 : memref<128x128xf32, #tpu.memory_space<hbm>>) dst(%dma_wait3A_70 : memref<128x128xf32, #tpu.memory_space<vmem_shared>>)
    %dma_wait3A_71 = arith.constant 0 : i32
    %dma_wait3A_72 = tpu.memref_slice %arg11[%add3A_21, %dma_wait3A_71] : memref<10240x128xf32, #tpu.memory_space<vmem_shared>> -> memref<128x128xf32, #tpu.memory_space<vmem_shared>>
    tpu.wait_dma2 semaphore(%arg14 : memref<!tpu.dma_semaphore, #tpu.memory_space<semaphore_mem>>) src(%arg5 : memref<128x128xf32, #tpu.memory_space<hbm>>) dst(%dma_wait3A_72 : memref<128x128xf32, #tpu.memory_space<vmem_shared>>)
    %dma_wait3A_73 = arith.constant 0 : i32
    %dma_wait3A_74 = tpu.memref_slice %arg11[%add3A_27, %dma_wait3A_73] : memref<10240x128xf32, #tpu.memory_space<vmem_shared>> -> memref<128x128xf32, #tpu.memory_space<vmem_shared>>
    tpu.wait_dma2 semaphore(%arg14 : memref<!tpu.dma_semaphore, #tpu.memory_space<semaphore_mem>>) src(%arg5 : memref<128x128xf32, #tpu.memory_space<hbm>>) dst(%dma_wait3A_74 : memref<128x128xf32, #tpu.memory_space<vmem_shared>>)
    %dma_wait3A_75 = arith.constant 0 : i32
    %dma_wait3A_76 = arith.constant 0 : i32
    %dma_wait3A_77 = arith.constant 0 : i32
    %dma_wait3A_78 = arith.constant 0 : i32
    %dma_wait3A_79 = tpu.memref_slice %arg7[%dma_wait3A_76, %dma_wait3A_77, %dma_wait3A_78] : memref<2x10x100xi32, #tpu.memory_space<vmem>> -> memref<1x10x100xi32, #tpu.memory_space<vmem>>
    %dma_wait3A_80 = tpu.memref_squeeze %dma_wait3A_79 : memref<1x10x100xi32, #tpu.memory_space<vmem>> -> memref<10x100xi32, #tpu.memory_space<vmem>>
    %dma_wait3A_81 = arith.constant 0 : i32
    %dma_wait3A_82 = arith.constant 0 : i32
    %dma_wait3A_83 = tpu.memref_slice %arg3[%add3A, %dma_wait3A_75, %dma_wait3A_81, %dma_wait3A_82] : memref<32x10x10x100xi32, #tpu.memory_space<hbm>> -> memref<1x1x10x100xi32, #tpu.memory_space<hbm>>
    %dma_wait3A_84 = tpu.memref_squeeze %dma_wait3A_83 : memref<1x1x10x100xi32, #tpu.memory_space<hbm>> -> memref<10x100xi32, #tpu.memory_space<hbm>>
    %dma_wait3A_85 = arith.constant 0 : i32
    %dma_wait3A_86 = arith.constant 0 : i32
    %dma_wait3A_87 = tpu.memref_slice %arg7[%dma_wait3A_76, %dma_wait3A_85, %dma_wait3A_86] : memref<2x10x100xi32, #tpu.memory_space<vmem>> -> memref<1x10x100xi32, #tpu.memory_space<vmem>>
    %dma_wait3A_88 = tpu.memref_squeeze %dma_wait3A_87 : memref<1x10x100xi32, #tpu.memory_space<vmem>> -> memref<10x100xi32, #tpu.memory_space<vmem>>
    %dma_wait3A_89 = arith.constant 0 : i32
    %dma_wait3A_90 = arith.constant 0 : i32
    %dma_wait3A_91 = tpu.memref_slice %arg3[%add3A, %dma_wait3A_75, %dma_wait3A_89, %dma_wait3A_90] : memref<32x10x10x100xi32, #tpu.memory_space<hbm>> -> memref<1x1x10x100xi32, #tpu.memory_space<hbm>>
    %dma_wait3A_92 = tpu.memref_squeeze %dma_wait3A_91 : memref<1x1x10x100xi32, #tpu.memory_space<hbm>> -> memref<10x100xi32, #tpu.memory_space<hbm>>
    tpu.wait_dma2 semaphore(%arg14 : memref<!tpu.dma_semaphore, #tpu.memory_space<semaphore_mem>>) src(%dma_wait3A_92 : memref<10x100xi32, #tpu.memory_space<hbm>>) dst(%dma_wait3A_88 : memref<10x100xi32, #tpu.memory_space<vmem>>)
    %dma_wait3A_93 = arith.constant 0 : i32
    %dma_wait3A_94 = arith.constant 0 : i32
    %dma_wait3A_95 = arith.constant 0 : i32
    %dma_wait3A_96 = arith.constant 0 : i32
    %dma_wait3A_97 = tpu.memref_slice %arg8[%dma_wait3A_94, %dma_wait3A_95, %dma_wait3A_96] : memref<2x10x100xi32, #tpu.memory_space<vmem>> -> memref<1x10x100xi32, #tpu.memory_space<vmem>>
    %dma_wait3A_98 = tpu.memref_squeeze %dma_wait3A_97 : memref<1x10x100xi32, #tpu.memory_space<vmem>> -> memref<10x100xi32, #tpu.memory_space<vmem>>
    %dma_wait3A_99 = arith.constant 0 : i32
    %dma_wait3A_100 = arith.constant 0 : i32
    %dma_wait3A_101 = tpu.memref_slice %arg4[%add3A, %dma_wait3A_93, %dma_wait3A_99, %dma_wait3A_100] : memref<32x10x10x100xi32, #tpu.memory_space<hbm>> -> memref<1x1x10x100xi32, #tpu.memory_space<hbm>>
    %dma_wait3A_102 = tpu.memref_squeeze %dma_wait3A_101 : memref<1x1x10x100xi32, #tpu.memory_space<hbm>> -> memref<10x100xi32, #tpu.memory_space<hbm>>
    %dma_wait3A_103 = arith.constant 0 : i32
    %dma_wait3A_104 = arith.constant 0 : i32
    %dma_wait3A_105 = tpu.memref_slice %arg8[%dma_wait3A_94, %dma_wait3A_103, %dma_wait3A_104] : memref<2x10x100xi32, #tpu.memory_space<vmem>> -> memref<1x10x100xi32, #tpu.memory_space<vmem>>
    %dma_wait3A_106 = tpu.memref_squeeze %dma_wait3A_105 : memref<1x10x100xi32, #tpu.memory_space<vmem>> -> memref<10x100xi32, #tpu.memory_space<vmem>>
    %dma_wait3A_107 = arith.constant 0 : i32
    %dma_wait3A_108 = arith.constant 0 : i32
    %dma_wait3A_109 = tpu.memref_slice %arg4[%add3A, %dma_wait3A_93, %dma_wait3A_107, %dma_wait3A_108] : memref<32x10x10x100xi32, #tpu.memory_space<hbm>> -> memref<1x1x10x100xi32, #tpu.memory_space<hbm>>
    %dma_wait3A_110 = tpu.memref_squeeze %dma_wait3A_109 : memref<1x1x10x100xi32, #tpu.memory_space<hbm>> -> memref<10x100xi32, #tpu.memory_space<hbm>>
    tpu.wait_dma2 semaphore(%arg14 : memref<!tpu.dma_semaphore, #tpu.memory_space<semaphore_mem>>) src(%dma_wait3A_110 : memref<10x100xi32, #tpu.memory_space<hbm>>) dst(%dma_wait3A_106 : memref<10x100xi32, #tpu.memory_space<vmem>>)
    %barrier3A = arith.constant 0 : index
    tpu.barrier barrier_id(%barrier3A)
    %dma_start3A_111 = arith.constant 0 : i32
    %dma_start3A_112 = arith.constant 0 : i32
    %dma_start3A_113 = arith.constant 0 : i32
    %dma_start3A_114 = tpu.memref_slice %arg7[%dma_start3A_111, %dma_start3A_112, %dma_start3A_113] : memref<2x10x100xi32, #tpu.memory_space<vmem>> -> memref<1x1x100xi32, #tpu.memory_space<vmem>>
    %dma_start3A_115 = tpu.memref_squeeze %dma_start3A_114 : memref<1x1x100xi32, #tpu.memory_space<vmem>> -> memref<100xi32, #tpu.memory_space<vmem>>
    %dma_start3A_116 = arith.constant 0 : i32
    %dma_start3A_117 = arith.constant 0 : i32
    %dma_start3A_118 = tpu.memref_slice %arg2[%dma_start3A_116, %dma_start3A_117] : memref<10000x128xf32, #tpu.memory_space<hbm>> -> memref<10000x128xf32, #tpu.memory_space<hbm>>
    tpu.enqueue_indirect_dma source(%dma_start3A_118 : memref<10000x128xf32, #tpu.memory_space<hbm>>) target(%arg9 : memref<100x128xf32, #tpu.memory_space<vmem>>) offsets(%dma_start3A_115 : memref<100xi32, #tpu.memory_space<vmem>>) semaphore(%arg12 : memref<!tpu.dma_semaphore, #tpu.memory_space<semaphore_mem>>)
    %scan3A = arith.constant 0 : i32
    %scan3A_119 = arith.constant 50 : i32
    %scan3A_120 = arith.addi %scan3A, %scan3A_119 : i32
    %scan3A_121 = arith.constant 1 : i32
    scf.for %scan3A_142 = %scan3A to %scan3A_120 step %scan3A_121  : i32 {
      %mul3A_143 = arith.constant 2 : i32
      %mul3A_144 = arith.muli %scan3A_142, %mul3A_143 : i32
      %add3A_145 = arith.constant 0 : i32
      %add3A_146 = arith.addi %add3A_145, %mul3A_144 : i32
      %jit3A = arith.constant 10 : i32
      %div3A = arith.divsi %add3A_146, %jit3A : i32
      %sign3A = arith.constant 0 : i32
      %sign3A_147 = arith.cmpi sgt, %add3A_146, %sign3A : i32
      %sign3A_148 = arith.extui %sign3A_147 : i1 to i32
      %sign3A_149 = arith.constant 0 : i32
      %sign3A_150 = arith.cmpi slt, %add3A_146, %sign3A_149 : i32
      %sign3A_151 = arith.extui %sign3A_150 : i1 to i32
      %sign3A_152 = arith.subi %sign3A_148, %sign3A_151 : i32
      %sign3A_153 = arith.constant 0 : i32
      %sign3A_154 = arith.cmpi sgt, %jit3A, %sign3A_153 : i32
      %sign3A_155 = arith.extui %sign3A_154 : i1 to i32
      %sign3A_156 = arith.constant 0 : i32
      %sign3A_157 = arith.cmpi slt, %jit3A, %sign3A_156 : i32
      %sign3A_158 = arith.extui %sign3A_157 : i1 to i32
      %sign3A_159 = arith.subi %sign3A_155, %sign3A_158 : i32
      %ne3A = arith.cmpi ne, %sign3A_152, %sign3A_159 : i32
      %rem3A = arith.remsi %add3A_146, %jit3A : i32
      %ne3A_160 = arith.constant 0 : i32
      %ne3A_161 = arith.cmpi ne, %rem3A, %ne3A_160 : i32
      %and3A = arith.andi %ne3A, %ne3A_161 : i1
      %sub3A = arith.constant 1 : i32
      %sub3A_162 = arith.subi %div3A, %sub3A : i32
      %select_n3A = arith.select %and3A, %sub3A_162, %div3A : i32
      %jit3A_163 = arith.constant 2 : i32
      %eq3A = arith.constant 0 : i32
      %eq3A_164 = arith.cmpi eq, %jit3A_163, %eq3A : i32
      %jit3A_165 = arith.constant 1 : i32
      %select_n3A_166 = arith.select %eq3A_164, %jit3A_165, %jit3A_163 : i32
      %rem3A_167 = arith.remsi %select_n3A, %select_n3A_166 : i32
      %ne3A_168 = arith.constant 0 : i32
      %ne3A_169 = arith.cmpi ne, %rem3A_167, %ne3A_168 : i32
      %lt3A = arith.constant 0 : i32
      %lt3A_170 = arith.cmpi slt, %rem3A_167, %lt3A : i32
      %lt3A_171 = arith.constant 0 : i32
      %lt3A_172 = arith.cmpi slt, %select_n3A_166, %lt3A_171 : i32
      %ne3A_173 = arith.xori %lt3A_170, %lt3A_172 : i1
      %and3A_174 = arith.andi %ne3A_173, %ne3A_169 : i1
      %add3A_175 = arith.addi %rem3A_167, %select_n3A_166 : i32
      %select_n3A_176 = arith.select %and3A_174, %add3A_175, %rem3A_167 : i32
      %jit3A_177 = arith.constant 10 : i32
      %eq3A_178 = arith.constant 0 : i32
      %eq3A_179 = arith.cmpi eq, %jit3A_177, %eq3A_178 : i32
      %jit3A_180 = arith.constant 1 : i32
      %select_n3A_181 = arith.select %eq3A_179, %jit3A_180, %jit3A_177 : i32
      %rem3A_182 = arith.remsi %add3A_146, %select_n3A_181 : i32
      %ne3A_183 = arith.constant 0 : i32
      %ne3A_184 = arith.cmpi ne, %rem3A_182, %ne3A_183 : i32
      %lt3A_185 = arith.constant 0 : i32
      %lt3A_186 = arith.cmpi slt, %rem3A_182, %lt3A_185 : i32
      %lt3A_187 = arith.constant 0 : i32
      %lt3A_188 = arith.cmpi slt, %select_n3A_181, %lt3A_187 : i32
      %ne3A_189 = arith.xori %lt3A_186, %lt3A_188 : i1
      %and3A_190 = arith.andi %ne3A_189, %ne3A_184 : i1
      %add3A_191 = arith.addi %rem3A_182, %select_n3A_181 : i32
      %select_n3A_192 = arith.select %and3A_190, %add3A_191, %rem3A_182 : i32
      %dma_wait3A_193 = arith.constant 0 : i32
      %dma_wait3A_194 = tpu.memref_slice %arg7[%select_n3A_176, %select_n3A_192, %dma_wait3A_193] : memref<2x10x100xi32, #tpu.memory_space<vmem>> -> memref<1x1x100xi32, #tpu.memory_space<vmem>>
      %dma_wait3A_195 = tpu.memref_squeeze %dma_wait3A_194 : memref<1x1x100xi32, #tpu.memory_space<vmem>> -> memref<100xi32, #tpu.memory_space<vmem>>
      %dma_wait3A_196 = arith.constant 0 : i32
      %dma_wait3A_197 = arith.constant 0 : i32
      %dma_wait3A_198 = tpu.memref_slice %arg2[%dma_wait3A_196, %dma_wait3A_197] : memref<10000x128xf32, #tpu.memory_space<hbm>> -> memref<10000x128xf32, #tpu.memory_space<hbm>>
      tpu.wait_indirect_dma semaphore(%arg12 : memref<!tpu.dma_semaphore, #tpu.memory_space<semaphore_mem>>) src(%dma_wait3A_198 : memref<10000x128xf32, #tpu.memory_space<hbm>>) dst(%arg9 : memref<100x128xf32, #tpu.memory_space<vmem>>)
      %eq3A_199 = arith.constant 0 : i32
      %eq3A_200 = arith.cmpi eq, %select_n3A_192, %eq3A_199 : i32
      %add3A_201 = arith.constant 1 : i32
      %add3A_202 = arith.addi %select_n3A, %add3A_201 : i32
      %lt3A_203 = arith.constant 10 : i32
      %lt3A_204 = arith.cmpi slt, %add3A_202, %lt3A_203 : i32
      %and3A_205 = arith.andi %eq3A_200, %lt3A_204 : i1
      %convert_element_type3A = arith.extui %and3A_205 : i1 to i32
      %cond3A = arith.constant 0 : i32
      %cond3A_206 = arith.cmpi ne, %convert_element_type3A, %cond3A : i32
      scf.if %cond3A_206 {
        %add3A_314 = arith.constant 1 : i32
        %add3A_315 = arith.addi %select_n3A, %add3A_314 : i32
        %sub3A_316 = arith.constant 1 : i32
        %sub3A_317 = arith.subi %sub3A_316, %select_n3A_176 : i32
        %dma_start3A_318 = arith.constant 0 : i32
        %dma_start3A_319 = arith.constant 0 : i32
        %dma_start3A_320 = tpu.memref_slice %arg7[%sub3A_317, %dma_start3A_318, %dma_start3A_319] : memref<2x10x100xi32, #tpu.memory_space<vmem>> -> memref<1x10x100xi32, #tpu.memory_space<vmem>>
        %dma_start3A_321 = tpu.memref_squeeze %dma_start3A_320 : memref<1x10x100xi32, #tpu.memory_space<vmem>> -> memref<10x100xi32, #tpu.memory_space<vmem>>
        %dma_start3A_322 = arith.constant 0 : i32
        %dma_start3A_323 = arith.constant 0 : i32
        %dma_start3A_324 = tpu.memref_slice %arg3[%add3A, %add3A_315, %dma_start3A_322, %dma_start3A_323] : memref<32x10x10x100xi32, #tpu.memory_space<hbm>> -> memref<1x1x10x100xi32, #tpu.memory_space<hbm>>
        %dma_start3A_325 = tpu.memref_squeeze %dma_start3A_324 : memref<1x1x10x100xi32, #tpu.memory_space<hbm>> -> memref<10x100xi32, #tpu.memory_space<hbm>>
        %dma_start3A_326 = arith.constant 0 : i32
        %dma_start3A_327 = arith.constant 0 : i32
        %dma_start3A_328 = tpu.memref_slice %arg7[%sub3A_317, %dma_start3A_326, %dma_start3A_327] : memref<2x10x100xi32, #tpu.memory_space<vmem>> -> memref<1x10x100xi32, #tpu.memory_space<vmem>>
        %dma_start3A_329 = tpu.memref_squeeze %dma_start3A_328 : memref<1x10x100xi32, #tpu.memory_space<vmem>> -> memref<10x100xi32, #tpu.memory_space<vmem>>
        %dma_start3A_330 = arith.constant 0 : i32
        %dma_start3A_331 = arith.constant 0 : i32
        %dma_start3A_332 = tpu.memref_slice %arg3[%add3A, %add3A_315, %dma_start3A_330, %dma_start3A_331] : memref<32x10x10x100xi32, #tpu.memory_space<hbm>> -> memref<1x1x10x100xi32, #tpu.memory_space<hbm>>
        %dma_start3A_333 = tpu.memref_squeeze %dma_start3A_332 : memref<1x1x10x100xi32, #tpu.memory_space<hbm>> -> memref<10x100xi32, #tpu.memory_space<hbm>>
        tpu.enqueue_dma source(%dma_start3A_333 : memref<10x100xi32, #tpu.memory_space<hbm>>) target(%dma_start3A_329 : memref<10x100xi32, #tpu.memory_space<vmem>>) target_semaphore(%arg14 : memref<!tpu.dma_semaphore, #tpu.memory_space<semaphore_mem>>)
        %add3A_334 = arith.constant 1 : i32
        %add3A_335 = arith.addi %select_n3A, %add3A_334 : i32
        %sub3A_336 = arith.constant 1 : i32
        %sub3A_337 = arith.subi %sub3A_336, %select_n3A_176 : i32
        %dma_start3A_338 = arith.constant 0 : i32
        %dma_start3A_339 = arith.constant 0 : i32
        %dma_start3A_340 = tpu.memref_slice %arg8[%sub3A_337, %dma_start3A_338, %dma_start3A_339] : memref<2x10x100xi32, #tpu.memory_space<vmem>> -> memref<1x10x100xi32, #tpu.memory_space<vmem>>
        %dma_start3A_341 = tpu.memref_squeeze %dma_start3A_340 : memref<1x10x100xi32, #tpu.memory_space<vmem>> -> memref<10x100xi32, #tpu.memory_space<vmem>>
        %dma_start3A_342 = arith.constant 0 : i32
        %dma_start3A_343 = arith.constant 0 : i32
        %dma_start3A_344 = tpu.memref_slice %arg4[%add3A, %add3A_335, %dma_start3A_342, %dma_start3A_343] : memref<32x10x10x100xi32, #tpu.memory_space<hbm>> -> memref<1x1x10x100xi32, #tpu.memory_space<hbm>>
        %dma_start3A_345 = tpu.memref_squeeze %dma_start3A_344 : memref<1x1x10x100xi32, #tpu.memory_space<hbm>> -> memref<10x100xi32, #tpu.memory_space<hbm>>
        %dma_start3A_346 = arith.constant 0 : i32
        %dma_start3A_347 = arith.constant 0 : i32
        %dma_start3A_348 = tpu.memref_slice %arg8[%sub3A_337, %dma_start3A_346, %dma_start3A_347] : memref<2x10x100xi32, #tpu.memory_space<vmem>> -> memref<1x10x100xi32, #tpu.memory_space<vmem>>
        %dma_start3A_349 = tpu.memref_squeeze %dma_start3A_348 : memref<1x10x100xi32, #tpu.memory_space<vmem>> -> memref<10x100xi32, #tpu.memory_space<vmem>>
        %dma_start3A_350 = arith.constant 0 : i32
        %dma_start3A_351 = arith.constant 0 : i32
        %dma_start3A_352 = tpu.memref_slice %arg4[%add3A, %add3A_335, %dma_start3A_350, %dma_start3A_351] : memref<32x10x10x100xi32, #tpu.memory_space<hbm>> -> memref<1x1x10x100xi32, #tpu.memory_space<hbm>>
        %dma_start3A_353 = tpu.memref_squeeze %dma_start3A_352 : memref<1x1x10x100xi32, #tpu.memory_space<hbm>> -> memref<10x100xi32, #tpu.memory_space<hbm>>
        tpu.enqueue_dma source(%dma_start3A_353 : memref<10x100xi32, #tpu.memory_space<hbm>>) target(%dma_start3A_349 : memref<10x100xi32, #tpu.memory_space<vmem>>) target_semaphore(%arg14 : memref<!tpu.dma_semaphore, #tpu.memory_space<semaphore_mem>>)
      } else {
      }
      %ge3A = arith.constant 2 : i32
      %ge3A_207 = arith.cmpi sge, %add3A_146, %ge3A : i32
      %convert_element_type3A_208 = arith.extui %ge3A_207 : i1 to i32
      %cond3A_209 = arith.constant 0 : i32
      %cond3A_210 = arith.cmpi ne, %convert_element_type3A_208, %cond3A_209 : i32
      scf.if %cond3A_210 {
        %dma_wait3A_314 = arith.constant 0 : i32
        %dma_wait3A_315 = arith.constant 0 : i32
        %dma_wait3A_316 = arith.constant 0 : i32
        %dma_wait3A_317 = tpu.memref_slice %arg8[%dma_wait3A_314, %dma_wait3A_315, %dma_wait3A_316] : memref<2x10x100xi32, #tpu.memory_space<vmem>> -> memref<1x1x100xi32, #tpu.memory_space<vmem>>
        %dma_wait3A_318 = tpu.memref_squeeze %dma_wait3A_317 : memref<1x1x100xi32, #tpu.memory_space<vmem>> -> memref<100xi32, #tpu.memory_space<vmem>>
        %dma_wait3A_319 = arith.constant 0 : i32
        %dma_wait3A_320 = arith.constant 0 : i32
        %dma_wait3A_321 = tpu.memref_slice %arg11[%dma_wait3A_319, %dma_wait3A_320] : memref<10240x128xf32, #tpu.memory_space<vmem_shared>> -> memref<10240x128xf32, #tpu.memory_space<vmem_shared>>
        tpu.wait_indirect_dma semaphore(%arg16 : memref<!tpu.dma_semaphore, #tpu.memory_space<semaphore_mem>>) src(%arg10 : memref<100x128xf32, #tpu.memory_space<vmem>>) dst(%dma_wait3A_321 : memref<10240x128xf32, #tpu.memory_space<vmem_shared>>)
      } else {
      }
      %add3A_211 = arith.constant 1 : i32
      %add3A_212 = arith.addi %select_n3A_192, %add3A_211 : i32
      %dma_start3A_213 = arith.constant 0 : i32
      %dma_start3A_214 = tpu.memref_slice %arg7[%select_n3A_176, %add3A_212, %dma_start3A_213] : memref<2x10x100xi32, #tpu.memory_space<vmem>> -> memref<1x1x100xi32, #tpu.memory_space<vmem>>
      %dma_start3A_215 = tpu.memref_squeeze %dma_start3A_214 : memref<1x1x100xi32, #tpu.memory_space<vmem>> -> memref<100xi32, #tpu.memory_space<vmem>>
      %dma_start3A_216 = arith.constant 0 : i32
      %dma_start3A_217 = arith.constant 0 : i32
      %dma_start3A_218 = tpu.memref_slice %arg2[%dma_start3A_216, %dma_start3A_217] : memref<10000x128xf32, #tpu.memory_space<hbm>> -> memref<10000x128xf32, #tpu.memory_space<hbm>>
      tpu.enqueue_indirect_dma source(%dma_start3A_218 : memref<10000x128xf32, #tpu.memory_space<hbm>>) target(%arg10 : memref<100x128xf32, #tpu.memory_space<vmem>>) offsets(%dma_start3A_215 : memref<100xi32, #tpu.memory_space<vmem>>) semaphore(%arg13 : memref<!tpu.dma_semaphore, #tpu.memory_space<semaphore_mem>>)
      %dma_start3A_219 = arith.constant 0 : i32
      %dma_start3A_220 = tpu.memref_slice %arg8[%select_n3A_176, %select_n3A_192, %dma_start3A_219] : memref<2x10x100xi32, #tpu.memory_space<vmem>> -> memref<1x1x100xi32, #tpu.memory_space<vmem>>
      %dma_start3A_221 = tpu.memref_squeeze %dma_start3A_220 : memref<1x1x100xi32, #tpu.memory_space<vmem>> -> memref<100xi32, #tpu.memory_space<vmem>>
      %dma_start3A_222 = arith.constant 0 : i32
      %dma_start3A_223 = arith.constant 0 : i32
      %dma_start3A_224 = tpu.memref_slice %arg11[%dma_start3A_222, %dma_start3A_223] : memref<10240x128xf32, #tpu.memory_space<vmem_shared>> -> memref<10240x128xf32, #tpu.memory_space<vmem_shared>>
      tpu.enqueue_indirect_dma source(%arg9 : memref<100x128xf32, #tpu.memory_space<vmem>>) target(%dma_start3A_224 : memref<10240x128xf32, #tpu.memory_space<vmem_shared>>) offsets(%dma_start3A_221 : memref<100xi32, #tpu.memory_space<vmem>>) semaphore(%arg15 : memref<!tpu.dma_semaphore, #tpu.memory_space<semaphore_mem>>) {add = true}
      %add3A_225 = arith.constant 2 : i32
      %add3A_226 = arith.addi %add3A_146, %add3A_225 : i32
      %jit3A_227 = arith.constant 10 : i32
      %div3A_228 = arith.divsi %add3A_226, %jit3A_227 : i32
      %sign3A_229 = arith.constant 0 : i32
      %sign3A_230 = arith.cmpi sgt, %add3A_226, %sign3A_229 : i32
      %sign3A_231 = arith.extui %sign3A_230 : i1 to i32
      %sign3A_232 = arith.constant 0 : i32
      %sign3A_233 = arith.cmpi slt, %add3A_226, %sign3A_232 : i32
      %sign3A_234 = arith.extui %sign3A_233 : i1 to i32
      %sign3A_235 = arith.subi %sign3A_231, %sign3A_234 : i32
      %sign3A_236 = arith.constant 0 : i32
      %sign3A_237 = arith.cmpi sgt, %jit3A_227, %sign3A_236 : i32
      %sign3A_238 = arith.extui %sign3A_237 : i1 to i32
      %sign3A_239 = arith.constant 0 : i32
      %sign3A_240 = arith.cmpi slt, %jit3A_227, %sign3A_239 : i32
      %sign3A_241 = arith.extui %sign3A_240 : i1 to i32
      %sign3A_242 = arith.subi %sign3A_238, %sign3A_241 : i32
      %ne3A_243 = arith.cmpi ne, %sign3A_235, %sign3A_242 : i32
      %rem3A_244 = arith.remsi %add3A_226, %jit3A_227 : i32
      %ne3A_245 = arith.constant 0 : i32
      %ne3A_246 = arith.cmpi ne, %rem3A_244, %ne3A_245 : i32
      %and3A_247 = arith.andi %ne3A_243, %ne3A_246 : i1
      %sub3A_248 = arith.constant 1 : i32
      %sub3A_249 = arith.subi %div3A_228, %sub3A_248 : i32
      %select_n3A_250 = arith.select %and3A_247, %sub3A_249, %div3A_228 : i32
      %jit3A_251 = arith.constant 2 : i32
      %eq3A_252 = arith.constant 0 : i32
      %eq3A_253 = arith.cmpi eq, %jit3A_251, %eq3A_252 : i32
      %jit3A_254 = arith.constant 1 : i32
      %select_n3A_255 = arith.select %eq3A_253, %jit3A_254, %jit3A_251 : i32
      %rem3A_256 = arith.remsi %select_n3A_250, %select_n3A_255 : i32
      %ne3A_257 = arith.constant 0 : i32
      %ne3A_258 = arith.cmpi ne, %rem3A_256, %ne3A_257 : i32
      %lt3A_259 = arith.constant 0 : i32
      %lt3A_260 = arith.cmpi slt, %rem3A_256, %lt3A_259 : i32
      %lt3A_261 = arith.constant 0 : i32
      %lt3A_262 = arith.cmpi slt, %select_n3A_255, %lt3A_261 : i32
      %ne3A_263 = arith.xori %lt3A_260, %lt3A_262 : i1
      %and3A_264 = arith.andi %ne3A_263, %ne3A_258 : i1
      %add3A_265 = arith.addi %rem3A_256, %select_n3A_255 : i32
      %select_n3A_266 = arith.select %and3A_264, %add3A_265, %rem3A_256 : i32
      %add3A_267 = arith.constant 2 : i32
      %add3A_268 = arith.addi %add3A_146, %add3A_267 : i32
      %jit3A_269 = arith.constant 10 : i32
      %eq3A_270 = arith.constant 0 : i32
      %eq3A_271 = arith.cmpi eq, %jit3A_269, %eq3A_270 : i32
      %jit3A_272 = arith.constant 1 : i32
      %select_n3A_273 = arith.select %eq3A_271, %jit3A_272, %jit3A_269 : i32
      %rem3A_274 = arith.remsi %add3A_268, %select_n3A_273 : i32
      %ne3A_275 = arith.constant 0 : i32
      %ne3A_276 = arith.cmpi ne, %rem3A_274, %ne3A_275 : i32
      %lt3A_277 = arith.constant 0 : i32
      %lt3A_278 = arith.cmpi slt, %rem3A_274, %lt3A_277 : i32
      %lt3A_279 = arith.constant 0 : i32
      %lt3A_280 = arith.cmpi slt, %select_n3A_273, %lt3A_279 : i32
      %ne3A_281 = arith.xori %lt3A_278, %lt3A_280 : i1
      %and3A_282 = arith.andi %ne3A_281, %ne3A_276 : i1
      %add3A_283 = arith.addi %rem3A_274, %select_n3A_273 : i32
      %select_n3A_284 = arith.select %and3A_282, %add3A_283, %rem3A_274 : i32
      %eq3A_285 = arith.constant 0 : i32
      %eq3A_286 = arith.cmpi eq, %select_n3A_284, %eq3A_285 : i32
      %lt3A_287 = arith.constant 10 : i32
      %lt3A_288 = arith.cmpi slt, %select_n3A_250, %lt3A_287 : i32
      %and3A_289 = arith.andi %eq3A_286, %lt3A_288 : i1
      %convert_element_type3A_290 = arith.extui %and3A_289 : i1 to i32
      %cond3A_291 = arith.constant 0 : i32
      %cond3A_292 = arith.cmpi ne, %convert_element_type3A_290, %cond3A_291 : i32
      scf.if %cond3A_292 {
        %dma_wait3A_314 = arith.constant 0 : i32
        %dma_wait3A_315 = arith.constant 0 : i32
        %dma_wait3A_316 = arith.constant 0 : i32
        %dma_wait3A_317 = arith.constant 0 : i32
        %dma_wait3A_318 = tpu.memref_slice %arg7[%dma_wait3A_315, %dma_wait3A_316, %dma_wait3A_317] : memref<2x10x100xi32, #tpu.memory_space<vmem>> -> memref<1x10x100xi32, #tpu.memory_space<vmem>>
        %dma_wait3A_319 = tpu.memref_squeeze %dma_wait3A_318 : memref<1x10x100xi32, #tpu.memory_space<vmem>> -> memref<10x100xi32, #tpu.memory_space<vmem>>
        %dma_wait3A_320 = arith.constant 0 : i32
        %dma_wait3A_321 = arith.constant 0 : i32
        %dma_wait3A_322 = tpu.memref_slice %arg3[%add3A, %dma_wait3A_314, %dma_wait3A_320, %dma_wait3A_321] : memref<32x10x10x100xi32, #tpu.memory_space<hbm>> -> memref<1x1x10x100xi32, #tpu.memory_space<hbm>>
        %dma_wait3A_323 = tpu.memref_squeeze %dma_wait3A_322 : memref<1x1x10x100xi32, #tpu.memory_space<hbm>> -> memref<10x100xi32, #tpu.memory_space<hbm>>
        %dma_wait3A_324 = arith.constant 0 : i32
        %dma_wait3A_325 = arith.constant 0 : i32
        %dma_wait3A_326 = tpu.memref_slice %arg7[%dma_wait3A_315, %dma_wait3A_324, %dma_wait3A_325] : memref<2x10x100xi32, #tpu.memory_space<vmem>> -> memref<1x10x100xi32, #tpu.memory_space<vmem>>
        %dma_wait3A_327 = tpu.memref_squeeze %dma_wait3A_326 : memref<1x10x100xi32, #tpu.memory_space<vmem>> -> memref<10x100xi32, #tpu.memory_space<vmem>>
        %dma_wait3A_328 = arith.constant 0 : i32
        %dma_wait3A_329 = arith.constant 0 : i32
        %dma_wait3A_330 = tpu.memref_slice %arg3[%add3A, %dma_wait3A_314, %dma_wait3A_328, %dma_wait3A_329] : memref<32x10x10x100xi32, #tpu.memory_space<hbm>> -> memref<1x1x10x100xi32, #tpu.memory_space<hbm>>
        %dma_wait3A_331 = tpu.memref_squeeze %dma_wait3A_330 : memref<1x1x10x100xi32, #tpu.memory_space<hbm>> -> memref<10x100xi32, #tpu.memory_space<hbm>>
        tpu.wait_dma2 semaphore(%arg14 : memref<!tpu.dma_semaphore, #tpu.memory_space<semaphore_mem>>) src(%dma_wait3A_331 : memref<10x100xi32, #tpu.memory_space<hbm>>) dst(%dma_wait3A_327 : memref<10x100xi32, #tpu.memory_space<vmem>>)
        %dma_wait3A_332 = arith.constant 0 : i32
        %dma_wait3A_333 = arith.constant 0 : i32
        %dma_wait3A_334 = arith.constant 0 : i32
        %dma_wait3A_335 = arith.constant 0 : i32
        %dma_wait3A_336 = tpu.memref_slice %arg8[%dma_wait3A_333, %dma_wait3A_334, %dma_wait3A_335] : memref<2x10x100xi32, #tpu.memory_space<vmem>> -> memref<1x10x100xi32, #tpu.memory_space<vmem>>
        %dma_wait3A_337 = tpu.memref_squeeze %dma_wait3A_336 : memref<1x10x100xi32, #tpu.memory_space<vmem>> -> memref<10x100xi32, #tpu.memory_space<vmem>>
        %dma_wait3A_338 = arith.constant 0 : i32
        %dma_wait3A_339 = arith.constant 0 : i32
        %dma_wait3A_340 = tpu.memref_slice %arg4[%add3A, %dma_wait3A_332, %dma_wait3A_338, %dma_wait3A_339] : memref<32x10x10x100xi32, #tpu.memory_space<hbm>> -> memref<1x1x10x100xi32, #tpu.memory_space<hbm>>
        %dma_wait3A_341 = tpu.memref_squeeze %dma_wait3A_340 : memref<1x1x10x100xi32, #tpu.memory_space<hbm>> -> memref<10x100xi32, #tpu.memory_space<hbm>>
        %dma_wait3A_342 = arith.constant 0 : i32
        %dma_wait3A_343 = arith.constant 0 : i32
        %dma_wait3A_344 = tpu.memref_slice %arg8[%dma_wait3A_333, %dma_wait3A_342, %dma_wait3A_343] : memref<2x10x100xi32, #tpu.memory_space<vmem>> -> memref<1x10x100xi32, #tpu.memory_space<vmem>>
        %dma_wait3A_345 = tpu.memref_squeeze %dma_wait3A_344 : memref<1x10x100xi32, #tpu.memory_space<vmem>> -> memref<10x100xi32, #tpu.memory_space<vmem>>
        %dma_wait3A_346 = arith.constant 0 : i32
        %dma_wait3A_347 = arith.constant 0 : i32
        %dma_wait3A_348 = tpu.memref_slice %arg4[%add3A, %dma_wait3A_332, %dma_wait3A_346, %dma_wait3A_347] : memref<32x10x10x100xi32, #tpu.memory_space<hbm>> -> memref<1x1x10x100xi32, #tpu.memory_space<hbm>>
        %dma_wait3A_349 = tpu.memref_squeeze %dma_wait3A_348 : memref<1x1x10x100xi32, #tpu.memory_space<hbm>> -> memref<10x100xi32, #tpu.memory_space<hbm>>
        tpu.wait_dma2 semaphore(%arg14 : memref<!tpu.dma_semaphore, #tpu.memory_space<semaphore_mem>>) src(%dma_wait3A_349 : memref<10x100xi32, #tpu.memory_space<hbm>>) dst(%dma_wait3A_345 : memref<10x100xi32, #tpu.memory_space<vmem>>)
      } else {
      }
      %lt3A_293 = arith.constant 10 : i32
      %lt3A_294 = arith.cmpi slt, %select_n3A_250, %lt3A_293 : i32
      %convert_element_type3A_295 = arith.extui %lt3A_294 : i1 to i32
      %cond3A_296 = arith.constant 0 : i32
      %cond3A_297 = arith.cmpi ne, %convert_element_type3A_295, %cond3A_296 : i32
      scf.if %cond3A_297 {
        %dma_wait3A_314 = arith.constant 0 : i32
        %dma_wait3A_315 = arith.constant 0 : i32
        %dma_wait3A_316 = arith.constant 0 : i32
        %dma_wait3A_317 = tpu.memref_slice %arg8[%dma_wait3A_314, %dma_wait3A_315, %dma_wait3A_316] : memref<2x10x100xi32, #tpu.memory_space<vmem>> -> memref<1x1x100xi32, #tpu.memory_space<vmem>>
        %dma_wait3A_318 = tpu.memref_squeeze %dma_wait3A_317 : memref<1x1x100xi32, #tpu.memory_space<vmem>> -> memref<100xi32, #tpu.memory_space<vmem>>
        %dma_wait3A_319 = arith.constant 0 : i32
        %dma_wait3A_320 = arith.constant 0 : i32
        %dma_wait3A_321 = tpu.memref_slice %arg11[%dma_wait3A_319, %dma_wait3A_320] : memref<10240x128xf32, #tpu.memory_space<vmem_shared>> -> memref<10240x128xf32, #tpu.memory_space<vmem_shared>>
        tpu.wait_indirect_dma semaphore(%arg15 : memref<!tpu.dma_semaphore, #tpu.memory_space<semaphore_mem>>) src(%arg9 : memref<100x128xf32, #tpu.memory_space<vmem>>) dst(%dma_wait3A_321 : memref<10240x128xf32, #tpu.memory_space<vmem_shared>>)
        %dma_start3A_322 = arith.constant 0 : i32
        %dma_start3A_323 = tpu.memref_slice %arg7[%select_n3A_266, %select_n3A_284, %dma_start3A_322] : memref<2x10x100xi32, #tpu.memory_space<vmem>> -> memref<1x1x100xi32, #tpu.memory_space<vmem>>
        %dma_start3A_324 = tpu.memref_squeeze %dma_start3A_323 : memref<1x1x100xi32, #tpu.memory_space<vmem>> -> memref<100xi32, #tpu.memory_space<vmem>>
        %dma_start3A_325 = arith.constant 0 : i32
        %dma_start3A_326 = arith.constant 0 : i32
        %dma_start3A_327 = tpu.memref_slice %arg2[%dma_start3A_325, %dma_start3A_326] : memref<10000x128xf32, #tpu.memory_space<hbm>> -> memref<10000x128xf32, #tpu.memory_space<hbm>>
        tpu.enqueue_indirect_dma source(%dma_start3A_327 : memref<10000x128xf32, #tpu.memory_space<hbm>>) target(%arg9 : memref<100x128xf32, #tpu.memory_space<vmem>>) offsets(%dma_start3A_324 : memref<100xi32, #tpu.memory_space<vmem>>) semaphore(%arg12 : memref<!tpu.dma_semaphore, #tpu.memory_space<semaphore_mem>>)
      } else {
      }
      %add3A_298 = arith.constant 1 : i32
      %add3A_299 = arith.addi %select_n3A_192, %add3A_298 : i32
      %dma_wait3A_300 = arith.constant 0 : i32
      %dma_wait3A_301 = tpu.memref_slice %arg7[%select_n3A_176, %add3A_299, %dma_wait3A_300] : memref<2x10x100xi32, #tpu.memory_space<vmem>> -> memref<1x1x100xi32, #tpu.memory_space<vmem>>
      %dma_wait3A_302 = tpu.memref_squeeze %dma_wait3A_301 : memref<1x1x100xi32, #tpu.memory_space<vmem>> -> memref<100xi32, #tpu.memory_space<vmem>>
      %dma_wait3A_303 = arith.constant 0 : i32
      %dma_wait3A_304 = arith.constant 0 : i32
      %dma_wait3A_305 = tpu.memref_slice %arg2[%dma_wait3A_303, %dma_wait3A_304] : memref<10000x128xf32, #tpu.memory_space<hbm>> -> memref<10000x128xf32, #tpu.memory_space<hbm>>
      tpu.wait_indirect_dma semaphore(%arg13 : memref<!tpu.dma_semaphore, #tpu.memory_space<semaphore_mem>>) src(%dma_wait3A_305 : memref<10000x128xf32, #tpu.memory_space<hbm>>) dst(%arg10 : memref<100x128xf32, #tpu.memory_space<vmem>>)
      %add3A_306 = arith.constant 1 : i32
      %add3A_307 = arith.addi %select_n3A_192, %add3A_306 : i32
      %dma_start3A_308 = arith.constant 0 : i32
      %dma_start3A_309 = tpu.memref_slice %arg8[%select_n3A_176, %add3A_307, %dma_start3A_308] : memref<2x10x100xi32, #tpu.memory_space<vmem>> -> memref<1x1x100xi32, #tpu.memory_space<vmem>>
      %dma_start3A_310 = tpu.memref_squeeze %dma_start3A_309 : memref<1x1x100xi32, #tpu.memory_space<vmem>> -> memref<100xi32, #tpu.memory_space<vmem>>
      %dma_start3A_311 = arith.constant 0 : i32
      %dma_start3A_312 = arith.constant 0 : i32
      %dma_start3A_313 = tpu.memref_slice %arg11[%dma_start3A_311, %dma_start3A_312] : memref<10240x128xf32, #tpu.memory_space<vmem_shared>> -> memref<10240x128xf32, #tpu.memory_space<vmem_shared>>
      tpu.enqueue_indirect_dma source(%arg10 : memref<100x128xf32, #tpu.memory_space<vmem>>) target(%dma_start3A_313 : memref<10240x128xf32, #tpu.memory_space<vmem_shared>>) offsets(%dma_start3A_310 : memref<100xi32, #tpu.memory_space<vmem>>) semaphore(%arg16 : memref<!tpu.dma_semaphore, #tpu.memory_space<semaphore_mem>>) {add = true}
    }
    %scan3A_122 = arith.constant 50 : i32
    %dma_wait3A_123 = arith.constant 0 : i32
    %dma_wait3A_124 = arith.constant 0 : i32
    %dma_wait3A_125 = arith.constant 0 : i32
    %dma_wait3A_126 = tpu.memref_slice %arg8[%dma_wait3A_123, %dma_wait3A_124, %dma_wait3A_125] : memref<2x10x100xi32, #tpu.memory_space<vmem>> -> memref<1x1x100xi32, #tpu.memory_space<vmem>>
    %dma_wait3A_127 = tpu.memref_squeeze %dma_wait3A_126 : memref<1x1x100xi32, #tpu.memory_space<vmem>> -> memref<100xi32, #tpu.memory_space<vmem>>
    %dma_wait3A_128 = arith.constant 0 : i32
    %dma_wait3A_129 = arith.constant 0 : i32
    %dma_wait3A_130 = tpu.memref_slice %arg11[%dma_wait3A_128, %dma_wait3A_129] : memref<10240x128xf32, #tpu.memory_space<vmem_shared>> -> memref<10240x128xf32, #tpu.memory_space<vmem_shared>>
    tpu.wait_indirect_dma semaphore(%arg15 : memref<!tpu.dma_semaphore, #tpu.memory_space<semaphore_mem>>) src(%arg9 : memref<100x128xf32, #tpu.memory_space<vmem>>) dst(%dma_wait3A_130 : memref<10240x128xf32, #tpu.memory_space<vmem_shared>>)
    %dma_wait3A_131 = arith.constant 0 : i32
    %dma_wait3A_132 = arith.constant 0 : i32
    %dma_wait3A_133 = arith.constant 0 : i32
    %dma_wait3A_134 = tpu.memref_slice %arg8[%dma_wait3A_131, %dma_wait3A_132, %dma_wait3A_133] : memref<2x10x100xi32, #tpu.memory_space<vmem>> -> memref<1x1x100xi32, #tpu.memory_space<vmem>>
    %dma_wait3A_135 = tpu.memref_squeeze %dma_wait3A_134 : memref<1x1x100xi32, #tpu.memory_space<vmem>> -> memref<100xi32, #tpu.memory_space<vmem>>
    %dma_wait3A_136 = arith.constant 0 : i32
    %dma_wait3A_137 = arith.constant 0 : i32
    %dma_wait3A_138 = tpu.memref_slice %arg11[%dma_wait3A_136, %dma_wait3A_137] : memref<10240x128xf32, #tpu.memory_space<vmem_shared>> -> memref<10240x128xf32, #tpu.memory_space<vmem_shared>>
    tpu.wait_indirect_dma semaphore(%arg16 : memref<!tpu.dma_semaphore, #tpu.memory_space<semaphore_mem>>) src(%arg10 : memref<100x128xf32, #tpu.memory_space<vmem>>) dst(%dma_wait3A_138 : memref<10240x128xf32, #tpu.memory_space<vmem_shared>>)
    %barrier3A_139 = arith.constant 0 : index
    tpu.barrier barrier_id(%barrier3A_139)
    %mul3A_140 = arith.constant 640 : i32
    %mul3A_141 = arith.muli %arg1, %mul3A_140 : i32
    "tpu.region"() ({
      %run_scoped3A = tpu.sem_alloc : memref<!tpu.dma_semaphore, #tpu.memory_space<semaphore_mem>>
      %dma_start3A_142 = arith.constant 0 : i32
      %dma_start3A_143 = arith.constant 0 : i32
      %dma_start3A_144 = tpu.memref_slice %arg6[%arg0, %arg1, %dma_start3A_142, %dma_start3A_143] : memref<2x16x640x128xf32, #tpu.memory_space<hbm>> -> memref<1x1x640x128xf32, #tpu.memory_space<hbm>>
      %dma_start3A_145 = tpu.memref_squeeze %dma_start3A_144 : memref<1x1x640x128xf32, #tpu.memory_space<hbm>> -> memref<640x128xf32, #tpu.memory_space<hbm>>
      %dma_start3A_146 = arith.constant 0 : i32
      %dma_start3A_147 = tpu.memref_slice %arg11[%mul3A_141, %dma_start3A_146] : memref<10240x128xf32, #tpu.memory_space<vmem_shared>> -> memref<640x128xf32, #tpu.memory_space<vmem_shared>>
      tpu.enqueue_dma source(%dma_start3A_147 : memref<640x128xf32, #tpu.memory_space<vmem_shared>>) target(%dma_start3A_145 : memref<640x128xf32, #tpu.memory_space<hbm>>) target_semaphore(%run_scoped3A : memref<!tpu.dma_semaphore, #tpu.memory_space<semaphore_mem>>)
      %dma_wait3A_148 = arith.constant 0 : i32
      %dma_wait3A_149 = arith.constant 0 : i32
      %dma_wait3A_150 = tpu.memref_slice %arg6[%arg0, %arg1, %dma_wait3A_148, %dma_wait3A_149] : memref<2x16x640x128xf32, #tpu.memory_space<hbm>> -> memref<1x1x640x128xf32, #tpu.memory_space<hbm>>
      %dma_wait3A_151 = tpu.memref_squeeze %dma_wait3A_150 : memref<1x1x640x128xf32, #tpu.memory_space<hbm>> -> memref<640x128xf32, #tpu.memory_space<hbm>>
      %dma_wait3A_152 = arith.constant 0 : i32
      %dma_wait3A_153 = tpu.memref_slice %arg11[%mul3A_141, %dma_wait3A_152] : memref<10240x128xf32, #tpu.memory_space<vmem_shared>> -> memref<640x128xf32, #tpu.memory_space<vmem_shared>>
      tpu.wait_dma2 semaphore(%run_scoped3A : memref<!tpu.dma_semaphore, #tpu.memory_space<semaphore_mem>>) src(%dma_wait3A_153 : memref<640x128xf32, #tpu.memory_space<vmem_shared>>) dst(%dma_wait3A_151 : memref<640x128xf32, #tpu.memory_space<hbm>>)
      tpu.yield
    }) : () -> ()
    return
  }
}

#map = affine_map<(d0, d1) -> (0, 0, 0)>
#map1 = affine_map<(d0, d1) -> (0, 0)>
#map2 = affine_map<(d0, d1) -> (0, 0, 0, 0)>
module attributes {stable_mosaic.version = 14 : i64} {
  func.func @k(%arg0: i32, %arg1: i32, %arg2: memref<32x125x80xi32, #tpu.memory_space<hbm>>, %arg3: memref<640x16xf32, #tpu.memory_space<hbm>>, %arg4: memref<80x16xf32, #tpu.memory_space<hbm>>, %arg5: memref<2x16x640x16xf32, #tpu.memory_space<hbm>>, %arg6: memref<125x80xi32, #tpu.memory_space<vmem>>, %arg7: memref<80x16xf32, #tpu.memory_space<vmem>>, %arg8: memref<10240x16xf32, #tpu.memory_space<vmem_shared>>, %arg9: memref<!tpu.dma_semaphore, #tpu.memory_space<semaphore_mem>>) attributes {dimension_semantics = [#tpu.dimension_semantics<core_parallel>, #tpu.dimension_semantics<subcore_parallel>], iteration_bounds = array<i64: 2, 16>, scalar_prefetch = 0 : i64, scratch_operands = 4 : i64, tpu.core_type = #tpu.core_type<sc_vector_subcore>, window_params = [{transform_indices = #map}, {transform_indices = #map1}, {transform_indices = #map1}, {transform_indices = #map2}]} {
    %mul3A = arith.constant 16 : i32
    %mul3A_0 = arith.muli %arg0, %mul3A : i32
    %add3A = arith.addi %mul3A_0, %arg1 : i32
    %mul3A_1 = arith.constant 640 : i32
    %mul3A_2 = arith.muli %arg1, %mul3A_1 : i32
    "tpu.region"() ({
      %run_scoped3A = tpu.sem_alloc : memref<!tpu.dma_semaphore, #tpu.memory_space<semaphore_mem>>
      %dma_start3A_78 = arith.constant 0 : i32
      %dma_start3A_79 = tpu.memref_slice %arg8[%mul3A_2, %dma_start3A_78] : memref<10240x16xf32, #tpu.memory_space<vmem_shared>> -> memref<640x16xf32, #tpu.memory_space<vmem_shared>>
      tpu.enqueue_dma source(%arg3 : memref<640x16xf32, #tpu.memory_space<hbm>>) target(%dma_start3A_79 : memref<640x16xf32, #tpu.memory_space<vmem_shared>>) target_semaphore(%run_scoped3A : memref<!tpu.dma_semaphore, #tpu.memory_space<semaphore_mem>>)
      %dma_wait3A_80 = arith.constant 0 : i32
      %dma_wait3A_81 = tpu.memref_slice %arg8[%mul3A_2, %dma_wait3A_80] : memref<10240x16xf32, #tpu.memory_space<vmem_shared>> -> memref<640x16xf32, #tpu.memory_space<vmem_shared>>
      tpu.wait_dma2 semaphore(%run_scoped3A : memref<!tpu.dma_semaphore, #tpu.memory_space<semaphore_mem>>) src(%arg3 : memref<640x16xf32, #tpu.memory_space<hbm>>) dst(%dma_wait3A_81 : memref<640x16xf32, #tpu.memory_space<vmem_shared>>)
      tpu.yield
    }) : () -> ()
    "tpu.region"() ({
      %run_scoped3A = tpu.sem_alloc : memref<!tpu.dma_semaphore, #tpu.memory_space<semaphore_mem>>
      tpu.enqueue_dma source(%arg4 : memref<80x16xf32, #tpu.memory_space<hbm>>) target(%arg7 : memref<80x16xf32, #tpu.memory_space<vmem>>) target_semaphore(%run_scoped3A : memref<!tpu.dma_semaphore, #tpu.memory_space<semaphore_mem>>)
      tpu.wait_dma2 semaphore(%run_scoped3A : memref<!tpu.dma_semaphore, #tpu.memory_space<semaphore_mem>>) src(%arg4 : memref<80x16xf32, #tpu.memory_space<hbm>>) dst(%arg7 : memref<80x16xf32, #tpu.memory_space<vmem>>)
      tpu.yield
    }) : () -> ()
    "tpu.region"() ({
      %run_scoped3A = tpu.sem_alloc : memref<!tpu.dma_semaphore, #tpu.memory_space<semaphore_mem>>
      %dma_start3A_78 = arith.constant 0 : i32
      %dma_start3A_79 = arith.constant 0 : i32
      %dma_start3A_80 = tpu.memref_slice %arg2[%add3A, %dma_start3A_78, %dma_start3A_79] : memref<32x125x80xi32, #tpu.memory_space<hbm>> -> memref<1x125x80xi32, #tpu.memory_space<hbm>>
      %dma_start3A_81 = tpu.memref_squeeze %dma_start3A_80 : memref<1x125x80xi32, #tpu.memory_space<hbm>> -> memref<125x80xi32, #tpu.memory_space<hbm>>
      %dma_start3A_82 = arith.constant 0 : i32
      %dma_start3A_83 = arith.constant 0 : i32
      %dma_start3A_84 = tpu.memref_slice %arg2[%add3A, %dma_start3A_82, %dma_start3A_83] : memref<32x125x80xi32, #tpu.memory_space<hbm>> -> memref<1x125x80xi32, #tpu.memory_space<hbm>>
      %dma_start3A_85 = tpu.memref_squeeze %dma_start3A_84 : memref<1x125x80xi32, #tpu.memory_space<hbm>> -> memref<125x80xi32, #tpu.memory_space<hbm>>
      tpu.enqueue_dma source(%dma_start3A_85 : memref<125x80xi32, #tpu.memory_space<hbm>>) target(%arg6 : memref<125x80xi32, #tpu.memory_space<vmem>>) target_semaphore(%run_scoped3A : memref<!tpu.dma_semaphore, #tpu.memory_space<semaphore_mem>>)
      %dma_wait3A_86 = arith.constant 0 : i32
      %dma_wait3A_87 = arith.constant 0 : i32
      %dma_wait3A_88 = tpu.memref_slice %arg2[%add3A, %dma_wait3A_86, %dma_wait3A_87] : memref<32x125x80xi32, #tpu.memory_space<hbm>> -> memref<1x125x80xi32, #tpu.memory_space<hbm>>
      %dma_wait3A_89 = tpu.memref_squeeze %dma_wait3A_88 : memref<1x125x80xi32, #tpu.memory_space<hbm>> -> memref<125x80xi32, #tpu.memory_space<hbm>>
      %dma_wait3A_90 = arith.constant 0 : i32
      %dma_wait3A_91 = arith.constant 0 : i32
      %dma_wait3A_92 = tpu.memref_slice %arg2[%add3A, %dma_wait3A_90, %dma_wait3A_91] : memref<32x125x80xi32, #tpu.memory_space<hbm>> -> memref<1x125x80xi32, #tpu.memory_space<hbm>>
      %dma_wait3A_93 = tpu.memref_squeeze %dma_wait3A_92 : memref<1x125x80xi32, #tpu.memory_space<hbm>> -> memref<125x80xi32, #tpu.memory_space<hbm>>
      tpu.wait_dma2 semaphore(%run_scoped3A : memref<!tpu.dma_semaphore, #tpu.memory_space<semaphore_mem>>) src(%dma_wait3A_93 : memref<125x80xi32, #tpu.memory_space<hbm>>) dst(%arg6 : memref<125x80xi32, #tpu.memory_space<vmem>>)
      tpu.yield
    }) : () -> ()
    %barrier3A = arith.constant 0 : index
    tpu.barrier barrier_id(%barrier3A)
    %scan3A = arith.constant 0 : i32
    %scan3A_3 = arith.constant 15 : i32
    %scan3A_4 = arith.addi %scan3A, %scan3A_3 : i32
    %scan3A_5 = arith.constant 1 : i32
    scf.for %scan3A_78 = %scan3A to %scan3A_4 step %scan3A_5  : i32 {
      %mul3A_79 = arith.constant 8 : i32
      %mul3A_80 = arith.muli %scan3A_78, %mul3A_79 : i32
      %add3A_81 = arith.constant 0 : i32
      %add3A_82 = arith.addi %add3A_81, %mul3A_80 : i32
      %add3A_83 = arith.constant 0 : i32
      %add3A_84 = arith.addi %add3A_82, %add3A_83 : i32
      %dma_start3A_85 = arith.constant 0 : i32
      %dma_start3A_86 = tpu.memref_slice %arg6[%add3A_84, %dma_start3A_85] : memref<125x80xi32, #tpu.memory_space<vmem>> -> memref<1x80xi32, #tpu.memory_space<vmem>>
      %dma_start3A_87 = tpu.memref_squeeze %dma_start3A_86 : memref<1x80xi32, #tpu.memory_space<vmem>> -> memref<80xi32, #tpu.memory_space<vmem>>
      %dma_start3A_88 = arith.constant 0 : i32
      %dma_start3A_89 = arith.constant 0 : i32
      %dma_start3A_90 = tpu.memref_slice %arg8[%dma_start3A_88, %dma_start3A_89] : memref<10240x16xf32, #tpu.memory_space<vmem_shared>> -> memref<10240x16xf32, #tpu.memory_space<vmem_shared>>
      tpu.enqueue_indirect_dma source(%arg7 : memref<80x16xf32, #tpu.memory_space<vmem>>) target(%dma_start3A_90 : memref<10240x16xf32, #tpu.memory_space<vmem_shared>>) offsets(%dma_start3A_87 : memref<80xi32, #tpu.memory_space<vmem>>) semaphore(%arg9 : memref<!tpu.dma_semaphore, #tpu.memory_space<semaphore_mem>>) {add = true}
      %add3A_91 = arith.constant 1 : i32
      %add3A_92 = arith.addi %add3A_82, %add3A_91 : i32
      %dma_start3A_93 = arith.constant 0 : i32
      %dma_start3A_94 = tpu.memref_slice %arg6[%add3A_92, %dma_start3A_93] : memref<125x80xi32, #tpu.memory_space<vmem>> -> memref<1x80xi32, #tpu.memory_space<vmem>>
      %dma_start3A_95 = tpu.memref_squeeze %dma_start3A_94 : memref<1x80xi32, #tpu.memory_space<vmem>> -> memref<80xi32, #tpu.memory_space<vmem>>
      %dma_start3A_96 = arith.constant 0 : i32
      %dma_start3A_97 = arith.constant 0 : i32
      %dma_start3A_98 = tpu.memref_slice %arg8[%dma_start3A_96, %dma_start3A_97] : memref<10240x16xf32, #tpu.memory_space<vmem_shared>> -> memref<10240x16xf32, #tpu.memory_space<vmem_shared>>
      tpu.enqueue_indirect_dma source(%arg7 : memref<80x16xf32, #tpu.memory_space<vmem>>) target(%dma_start3A_98 : memref<10240x16xf32, #tpu.memory_space<vmem_shared>>) offsets(%dma_start3A_95 : memref<80xi32, #tpu.memory_space<vmem>>) semaphore(%arg9 : memref<!tpu.dma_semaphore, #tpu.memory_space<semaphore_mem>>) {add = true}
      %add3A_99 = arith.constant 2 : i32
      %add3A_100 = arith.addi %add3A_82, %add3A_99 : i32
      %dma_start3A_101 = arith.constant 0 : i32
      %dma_start3A_102 = tpu.memref_slice %arg6[%add3A_100, %dma_start3A_101] : memref<125x80xi32, #tpu.memory_space<vmem>> -> memref<1x80xi32, #tpu.memory_space<vmem>>
      %dma_start3A_103 = tpu.memref_squeeze %dma_start3A_102 : memref<1x80xi32, #tpu.memory_space<vmem>> -> memref<80xi32, #tpu.memory_space<vmem>>
      %dma_start3A_104 = arith.constant 0 : i32
      %dma_start3A_105 = arith.constant 0 : i32
      %dma_start3A_106 = tpu.memref_slice %arg8[%dma_start3A_104, %dma_start3A_105] : memref<10240x16xf32, #tpu.memory_space<vmem_shared>> -> memref<10240x16xf32, #tpu.memory_space<vmem_shared>>
      tpu.enqueue_indirect_dma source(%arg7 : memref<80x16xf32, #tpu.memory_space<vmem>>) target(%dma_start3A_106 : memref<10240x16xf32, #tpu.memory_space<vmem_shared>>) offsets(%dma_start3A_103 : memref<80xi32, #tpu.memory_space<vmem>>) semaphore(%arg9 : memref<!tpu.dma_semaphore, #tpu.memory_space<semaphore_mem>>) {add = true}
      %add3A_107 = arith.constant 3 : i32
      %add3A_108 = arith.addi %add3A_82, %add3A_107 : i32
      %dma_start3A_109 = arith.constant 0 : i32
      %dma_start3A_110 = tpu.memref_slice %arg6[%add3A_108, %dma_start3A_109] : memref<125x80xi32, #tpu.memory_space<vmem>> -> memref<1x80xi32, #tpu.memory_space<vmem>>
      %dma_start3A_111 = tpu.memref_squeeze %dma_start3A_110 : memref<1x80xi32, #tpu.memory_space<vmem>> -> memref<80xi32, #tpu.memory_space<vmem>>
      %dma_start3A_112 = arith.constant 0 : i32
      %dma_start3A_113 = arith.constant 0 : i32
      %dma_start3A_114 = tpu.memref_slice %arg8[%dma_start3A_112, %dma_start3A_113] : memref<10240x16xf32, #tpu.memory_space<vmem_shared>> -> memref<10240x16xf32, #tpu.memory_space<vmem_shared>>
      tpu.enqueue_indirect_dma source(%arg7 : memref<80x16xf32, #tpu.memory_space<vmem>>) target(%dma_start3A_114 : memref<10240x16xf32, #tpu.memory_space<vmem_shared>>) offsets(%dma_start3A_111 : memref<80xi32, #tpu.memory_space<vmem>>) semaphore(%arg9 : memref<!tpu.dma_semaphore, #tpu.memory_space<semaphore_mem>>) {add = true}
      %add3A_115 = arith.constant 4 : i32
      %add3A_116 = arith.addi %add3A_82, %add3A_115 : i32
      %dma_start3A_117 = arith.constant 0 : i32
      %dma_start3A_118 = tpu.memref_slice %arg6[%add3A_116, %dma_start3A_117] : memref<125x80xi32, #tpu.memory_space<vmem>> -> memref<1x80xi32, #tpu.memory_space<vmem>>
      %dma_start3A_119 = tpu.memref_squeeze %dma_start3A_118 : memref<1x80xi32, #tpu.memory_space<vmem>> -> memref<80xi32, #tpu.memory_space<vmem>>
      %dma_start3A_120 = arith.constant 0 : i32
      %dma_start3A_121 = arith.constant 0 : i32
      %dma_start3A_122 = tpu.memref_slice %arg8[%dma_start3A_120, %dma_start3A_121] : memref<10240x16xf32, #tpu.memory_space<vmem_shared>> -> memref<10240x16xf32, #tpu.memory_space<vmem_shared>>
      tpu.enqueue_indirect_dma source(%arg7 : memref<80x16xf32, #tpu.memory_space<vmem>>) target(%dma_start3A_122 : memref<10240x16xf32, #tpu.memory_space<vmem_shared>>) offsets(%dma_start3A_119 : memref<80xi32, #tpu.memory_space<vmem>>) semaphore(%arg9 : memref<!tpu.dma_semaphore, #tpu.memory_space<semaphore_mem>>) {add = true}
      %add3A_123 = arith.constant 5 : i32
      %add3A_124 = arith.addi %add3A_82, %add3A_123 : i32
      %dma_start3A_125 = arith.constant 0 : i32
      %dma_start3A_126 = tpu.memref_slice %arg6[%add3A_124, %dma_start3A_125] : memref<125x80xi32, #tpu.memory_space<vmem>> -> memref<1x80xi32, #tpu.memory_space<vmem>>
      %dma_start3A_127 = tpu.memref_squeeze %dma_start3A_126 : memref<1x80xi32, #tpu.memory_space<vmem>> -> memref<80xi32, #tpu.memory_space<vmem>>
      %dma_start3A_128 = arith.constant 0 : i32
      %dma_start3A_129 = arith.constant 0 : i32
      %dma_start3A_130 = tpu.memref_slice %arg8[%dma_start3A_128, %dma_start3A_129] : memref<10240x16xf32, #tpu.memory_space<vmem_shared>> -> memref<10240x16xf32, #tpu.memory_space<vmem_shared>>
      tpu.enqueue_indirect_dma source(%arg7 : memref<80x16xf32, #tpu.memory_space<vmem>>) target(%dma_start3A_130 : memref<10240x16xf32, #tpu.memory_space<vmem_shared>>) offsets(%dma_start3A_127 : memref<80xi32, #tpu.memory_space<vmem>>) semaphore(%arg9 : memref<!tpu.dma_semaphore, #tpu.memory_space<semaphore_mem>>) {add = true}
      %add3A_131 = arith.constant 6 : i32
      %add3A_132 = arith.addi %add3A_82, %add3A_131 : i32
      %dma_start3A_133 = arith.constant 0 : i32
      %dma_start3A_134 = tpu.memref_slice %arg6[%add3A_132, %dma_start3A_133] : memref<125x80xi32, #tpu.memory_space<vmem>> -> memref<1x80xi32, #tpu.memory_space<vmem>>
      %dma_start3A_135 = tpu.memref_squeeze %dma_start3A_134 : memref<1x80xi32, #tpu.memory_space<vmem>> -> memref<80xi32, #tpu.memory_space<vmem>>
      %dma_start3A_136 = arith.constant 0 : i32
      %dma_start3A_137 = arith.constant 0 : i32
      %dma_start3A_138 = tpu.memref_slice %arg8[%dma_start3A_136, %dma_start3A_137] : memref<10240x16xf32, #tpu.memory_space<vmem_shared>> -> memref<10240x16xf32, #tpu.memory_space<vmem_shared>>
      tpu.enqueue_indirect_dma source(%arg7 : memref<80x16xf32, #tpu.memory_space<vmem>>) target(%dma_start3A_138 : memref<10240x16xf32, #tpu.memory_space<vmem_shared>>) offsets(%dma_start3A_135 : memref<80xi32, #tpu.memory_space<vmem>>) semaphore(%arg9 : memref<!tpu.dma_semaphore, #tpu.memory_space<semaphore_mem>>) {add = true}
      %add3A_139 = arith.constant 7 : i32
      %add3A_140 = arith.addi %add3A_82, %add3A_139 : i32
      %dma_start3A_141 = arith.constant 0 : i32
      %dma_start3A_142 = tpu.memref_slice %arg6[%add3A_140, %dma_start3A_141] : memref<125x80xi32, #tpu.memory_space<vmem>> -> memref<1x80xi32, #tpu.memory_space<vmem>>
      %dma_start3A_143 = tpu.memref_squeeze %dma_start3A_142 : memref<1x80xi32, #tpu.memory_space<vmem>> -> memref<80xi32, #tpu.memory_space<vmem>>
      %dma_start3A_144 = arith.constant 0 : i32
      %dma_start3A_145 = arith.constant 0 : i32
      %dma_start3A_146 = tpu.memref_slice %arg8[%dma_start3A_144, %dma_start3A_145] : memref<10240x16xf32, #tpu.memory_space<vmem_shared>> -> memref<10240x16xf32, #tpu.memory_space<vmem_shared>>
      tpu.enqueue_indirect_dma source(%arg7 : memref<80x16xf32, #tpu.memory_space<vmem>>) target(%dma_start3A_146 : memref<10240x16xf32, #tpu.memory_space<vmem_shared>>) offsets(%dma_start3A_143 : memref<80xi32, #tpu.memory_space<vmem>>) semaphore(%arg9 : memref<!tpu.dma_semaphore, #tpu.memory_space<semaphore_mem>>) {add = true}
      %dma_wait3A_147 = arith.constant 0 : i32
      %dma_wait3A_148 = tpu.memref_slice %arg6[%add3A_84, %dma_wait3A_147] : memref<125x80xi32, #tpu.memory_space<vmem>> -> memref<1x80xi32, #tpu.memory_space<vmem>>
      %dma_wait3A_149 = tpu.memref_squeeze %dma_wait3A_148 : memref<1x80xi32, #tpu.memory_space<vmem>> -> memref<80xi32, #tpu.memory_space<vmem>>
      %dma_wait3A_150 = arith.constant 0 : i32
      %dma_wait3A_151 = arith.constant 0 : i32
      %dma_wait3A_152 = tpu.memref_slice %arg8[%dma_wait3A_150, %dma_wait3A_151] : memref<10240x16xf32, #tpu.memory_space<vmem_shared>> -> memref<10240x16xf32, #tpu.memory_space<vmem_shared>>
      tpu.wait_indirect_dma semaphore(%arg9 : memref<!tpu.dma_semaphore, #tpu.memory_space<semaphore_mem>>) src(%arg7 : memref<80x16xf32, #tpu.memory_space<vmem>>) dst(%dma_wait3A_152 : memref<10240x16xf32, #tpu.memory_space<vmem_shared>>)
      %dma_wait3A_153 = arith.constant 0 : i32
      %dma_wait3A_154 = tpu.memref_slice %arg6[%add3A_92, %dma_wait3A_153] : memref<125x80xi32, #tpu.memory_space<vmem>> -> memref<1x80xi32, #tpu.memory_space<vmem>>
      %dma_wait3A_155 = tpu.memref_squeeze %dma_wait3A_154 : memref<1x80xi32, #tpu.memory_space<vmem>> -> memref<80xi32, #tpu.memory_space<vmem>>
      %dma_wait3A_156 = arith.constant 0 : i32
      %dma_wait3A_157 = arith.constant 0 : i32
      %dma_wait3A_158 = tpu.memref_slice %arg8[%dma_wait3A_156, %dma_wait3A_157] : memref<10240x16xf32, #tpu.memory_space<vmem_shared>> -> memref<10240x16xf32, #tpu.memory_space<vmem_shared>>
      tpu.wait_indirect_dma semaphore(%arg9 : memref<!tpu.dma_semaphore, #tpu.memory_space<semaphore_mem>>) src(%arg7 : memref<80x16xf32, #tpu.memory_space<vmem>>) dst(%dma_wait3A_158 : memref<10240x16xf32, #tpu.memory_space<vmem_shared>>)
      %dma_wait3A_159 = arith.constant 0 : i32
      %dma_wait3A_160 = tpu.memref_slice %arg6[%add3A_100, %dma_wait3A_159] : memref<125x80xi32, #tpu.memory_space<vmem>> -> memref<1x80xi32, #tpu.memory_space<vmem>>
      %dma_wait3A_161 = tpu.memref_squeeze %dma_wait3A_160 : memref<1x80xi32, #tpu.memory_space<vmem>> -> memref<80xi32, #tpu.memory_space<vmem>>
      %dma_wait3A_162 = arith.constant 0 : i32
      %dma_wait3A_163 = arith.constant 0 : i32
      %dma_wait3A_164 = tpu.memref_slice %arg8[%dma_wait3A_162, %dma_wait3A_163] : memref<10240x16xf32, #tpu.memory_space<vmem_shared>> -> memref<10240x16xf32, #tpu.memory_space<vmem_shared>>
      tpu.wait_indirect_dma semaphore(%arg9 : memref<!tpu.dma_semaphore, #tpu.memory_space<semaphore_mem>>) src(%arg7 : memref<80x16xf32, #tpu.memory_space<vmem>>) dst(%dma_wait3A_164 : memref<10240x16xf32, #tpu.memory_space<vmem_shared>>)
      %dma_wait3A_165 = arith.constant 0 : i32
      %dma_wait3A_166 = tpu.memref_slice %arg6[%add3A_108, %dma_wait3A_165] : memref<125x80xi32, #tpu.memory_space<vmem>> -> memref<1x80xi32, #tpu.memory_space<vmem>>
      %dma_wait3A_167 = tpu.memref_squeeze %dma_wait3A_166 : memref<1x80xi32, #tpu.memory_space<vmem>> -> memref<80xi32, #tpu.memory_space<vmem>>
      %dma_wait3A_168 = arith.constant 0 : i32
      %dma_wait3A_169 = arith.constant 0 : i32
      %dma_wait3A_170 = tpu.memref_slice %arg8[%dma_wait3A_168, %dma_wait3A_169] : memref<10240x16xf32, #tpu.memory_space<vmem_shared>> -> memref<10240x16xf32, #tpu.memory_space<vmem_shared>>
      tpu.wait_indirect_dma semaphore(%arg9 : memref<!tpu.dma_semaphore, #tpu.memory_space<semaphore_mem>>) src(%arg7 : memref<80x16xf32, #tpu.memory_space<vmem>>) dst(%dma_wait3A_170 : memref<10240x16xf32, #tpu.memory_space<vmem_shared>>)
      %dma_wait3A_171 = arith.constant 0 : i32
      %dma_wait3A_172 = tpu.memref_slice %arg6[%add3A_116, %dma_wait3A_171] : memref<125x80xi32, #tpu.memory_space<vmem>> -> memref<1x80xi32, #tpu.memory_space<vmem>>
      %dma_wait3A_173 = tpu.memref_squeeze %dma_wait3A_172 : memref<1x80xi32, #tpu.memory_space<vmem>> -> memref<80xi32, #tpu.memory_space<vmem>>
      %dma_wait3A_174 = arith.constant 0 : i32
      %dma_wait3A_175 = arith.constant 0 : i32
      %dma_wait3A_176 = tpu.memref_slice %arg8[%dma_wait3A_174, %dma_wait3A_175] : memref<10240x16xf32, #tpu.memory_space<vmem_shared>> -> memref<10240x16xf32, #tpu.memory_space<vmem_shared>>
      tpu.wait_indirect_dma semaphore(%arg9 : memref<!tpu.dma_semaphore, #tpu.memory_space<semaphore_mem>>) src(%arg7 : memref<80x16xf32, #tpu.memory_space<vmem>>) dst(%dma_wait3A_176 : memref<10240x16xf32, #tpu.memory_space<vmem_shared>>)
      %dma_wait3A_177 = arith.constant 0 : i32
      %dma_wait3A_178 = tpu.memref_slice %arg6[%add3A_124, %dma_wait3A_177] : memref<125x80xi32, #tpu.memory_space<vmem>> -> memref<1x80xi32, #tpu.memory_space<vmem>>
      %dma_wait3A_179 = tpu.memref_squeeze %dma_wait3A_178 : memref<1x80xi32, #tpu.memory_space<vmem>> -> memref<80xi32, #tpu.memory_space<vmem>>
      %dma_wait3A_180 = arith.constant 0 : i32
      %dma_wait3A_181 = arith.constant 0 : i32
      %dma_wait3A_182 = tpu.memref_slice %arg8[%dma_wait3A_180, %dma_wait3A_181] : memref<10240x16xf32, #tpu.memory_space<vmem_shared>> -> memref<10240x16xf32, #tpu.memory_space<vmem_shared>>
      tpu.wait_indirect_dma semaphore(%arg9 : memref<!tpu.dma_semaphore, #tpu.memory_space<semaphore_mem>>) src(%arg7 : memref<80x16xf32, #tpu.memory_space<vmem>>) dst(%dma_wait3A_182 : memref<10240x16xf32, #tpu.memory_space<vmem_shared>>)
      %dma_wait3A_183 = arith.constant 0 : i32
      %dma_wait3A_184 = tpu.memref_slice %arg6[%add3A_132, %dma_wait3A_183] : memref<125x80xi32, #tpu.memory_space<vmem>> -> memref<1x80xi32, #tpu.memory_space<vmem>>
      %dma_wait3A_185 = tpu.memref_squeeze %dma_wait3A_184 : memref<1x80xi32, #tpu.memory_space<vmem>> -> memref<80xi32, #tpu.memory_space<vmem>>
      %dma_wait3A_186 = arith.constant 0 : i32
      %dma_wait3A_187 = arith.constant 0 : i32
      %dma_wait3A_188 = tpu.memref_slice %arg8[%dma_wait3A_186, %dma_wait3A_187] : memref<10240x16xf32, #tpu.memory_space<vmem_shared>> -> memref<10240x16xf32, #tpu.memory_space<vmem_shared>>
      tpu.wait_indirect_dma semaphore(%arg9 : memref<!tpu.dma_semaphore, #tpu.memory_space<semaphore_mem>>) src(%arg7 : memref<80x16xf32, #tpu.memory_space<vmem>>) dst(%dma_wait3A_188 : memref<10240x16xf32, #tpu.memory_space<vmem_shared>>)
      %dma_wait3A_189 = arith.constant 0 : i32
      %dma_wait3A_190 = tpu.memref_slice %arg6[%add3A_140, %dma_wait3A_189] : memref<125x80xi32, #tpu.memory_space<vmem>> -> memref<1x80xi32, #tpu.memory_space<vmem>>
      %dma_wait3A_191 = tpu.memref_squeeze %dma_wait3A_190 : memref<1x80xi32, #tpu.memory_space<vmem>> -> memref<80xi32, #tpu.memory_space<vmem>>
      %dma_wait3A_192 = arith.constant 0 : i32
      %dma_wait3A_193 = arith.constant 0 : i32
      %dma_wait3A_194 = tpu.memref_slice %arg8[%dma_wait3A_192, %dma_wait3A_193] : memref<10240x16xf32, #tpu.memory_space<vmem_shared>> -> memref<10240x16xf32, #tpu.memory_space<vmem_shared>>
      tpu.wait_indirect_dma semaphore(%arg9 : memref<!tpu.dma_semaphore, #tpu.memory_space<semaphore_mem>>) src(%arg7 : memref<80x16xf32, #tpu.memory_space<vmem>>) dst(%dma_wait3A_194 : memref<10240x16xf32, #tpu.memory_space<vmem_shared>>)
    }
    %scan3A_6 = arith.constant 15 : i32
    %dma_start3A = arith.constant 120 : i32
    %dma_start3A_7 = arith.constant 0 : i32
    %dma_start3A_8 = tpu.memref_slice %arg6[%dma_start3A, %dma_start3A_7] : memref<125x80xi32, #tpu.memory_space<vmem>> -> memref<1x80xi32, #tpu.memory_space<vmem>>
    %dma_start3A_9 = tpu.memref_squeeze %dma_start3A_8 : memref<1x80xi32, #tpu.memory_space<vmem>> -> memref<80xi32, #tpu.memory_space<vmem>>
    %dma_start3A_10 = arith.constant 0 : i32
    %dma_start3A_11 = arith.constant 0 : i32
    %dma_start3A_12 = tpu.memref_slice %arg8[%dma_start3A_10, %dma_start3A_11] : memref<10240x16xf32, #tpu.memory_space<vmem_shared>> -> memref<10240x16xf32, #tpu.memory_space<vmem_shared>>
    tpu.enqueue_indirect_dma source(%arg7 : memref<80x16xf32, #tpu.memory_space<vmem>>) target(%dma_start3A_12 : memref<10240x16xf32, #tpu.memory_space<vmem_shared>>) offsets(%dma_start3A_9 : memref<80xi32, #tpu.memory_space<vmem>>) semaphore(%arg9 : memref<!tpu.dma_semaphore, #tpu.memory_space<semaphore_mem>>) {add = true}
    %dma_start3A_13 = arith.constant 121 : i32
    %dma_start3A_14 = arith.constant 0 : i32
    %dma_start3A_15 = tpu.memref_slice %arg6[%dma_start3A_13, %dma_start3A_14] : memref<125x80xi32, #tpu.memory_space<vmem>> -> memref<1x80xi32, #tpu.memory_space<vmem>>
    %dma_start3A_16 = tpu.memref_squeeze %dma_start3A_15 : memref<1x80xi32, #tpu.memory_space<vmem>> -> memref<80xi32, #tpu.memory_space<vmem>>
    %dma_start3A_17 = arith.constant 0 : i32
    %dma_start3A_18 = arith.constant 0 : i32
    %dma_start3A_19 = tpu.memref_slice %arg8[%dma_start3A_17, %dma_start3A_18] : memref<10240x16xf32, #tpu.memory_space<vmem_shared>> -> memref<10240x16xf32, #tpu.memory_space<vmem_shared>>
    tpu.enqueue_indirect_dma source(%arg7 : memref<80x16xf32, #tpu.memory_space<vmem>>) target(%dma_start3A_19 : memref<10240x16xf32, #tpu.memory_space<vmem_shared>>) offsets(%dma_start3A_16 : memref<80xi32, #tpu.memory_space<vmem>>) semaphore(%arg9 : memref<!tpu.dma_semaphore, #tpu.memory_space<semaphore_mem>>) {add = true}
    %dma_start3A_20 = arith.constant 122 : i32
    %dma_start3A_21 = arith.constant 0 : i32
    %dma_start3A_22 = tpu.memref_slice %arg6[%dma_start3A_20, %dma_start3A_21] : memref<125x80xi32, #tpu.memory_space<vmem>> -> memref<1x80xi32, #tpu.memory_space<vmem>>
    %dma_start3A_23 = tpu.memref_squeeze %dma_start3A_22 : memref<1x80xi32, #tpu.memory_space<vmem>> -> memref<80xi32, #tpu.memory_space<vmem>>
    %dma_start3A_24 = arith.constant 0 : i32
    %dma_start3A_25 = arith.constant 0 : i32
    %dma_start3A_26 = tpu.memref_slice %arg8[%dma_start3A_24, %dma_start3A_25] : memref<10240x16xf32, #tpu.memory_space<vmem_shared>> -> memref<10240x16xf32, #tpu.memory_space<vmem_shared>>
    tpu.enqueue_indirect_dma source(%arg7 : memref<80x16xf32, #tpu.memory_space<vmem>>) target(%dma_start3A_26 : memref<10240x16xf32, #tpu.memory_space<vmem_shared>>) offsets(%dma_start3A_23 : memref<80xi32, #tpu.memory_space<vmem>>) semaphore(%arg9 : memref<!tpu.dma_semaphore, #tpu.memory_space<semaphore_mem>>) {add = true}
    %dma_start3A_27 = arith.constant 123 : i32
    %dma_start3A_28 = arith.constant 0 : i32
    %dma_start3A_29 = tpu.memref_slice %arg6[%dma_start3A_27, %dma_start3A_28] : memref<125x80xi32, #tpu.memory_space<vmem>> -> memref<1x80xi32, #tpu.memory_space<vmem>>
    %dma_start3A_30 = tpu.memref_squeeze %dma_start3A_29 : memref<1x80xi32, #tpu.memory_space<vmem>> -> memref<80xi32, #tpu.memory_space<vmem>>
    %dma_start3A_31 = arith.constant 0 : i32
    %dma_start3A_32 = arith.constant 0 : i32
    %dma_start3A_33 = tpu.memref_slice %arg8[%dma_start3A_31, %dma_start3A_32] : memref<10240x16xf32, #tpu.memory_space<vmem_shared>> -> memref<10240x16xf32, #tpu.memory_space<vmem_shared>>
    tpu.enqueue_indirect_dma source(%arg7 : memref<80x16xf32, #tpu.memory_space<vmem>>) target(%dma_start3A_33 : memref<10240x16xf32, #tpu.memory_space<vmem_shared>>) offsets(%dma_start3A_30 : memref<80xi32, #tpu.memory_space<vmem>>) semaphore(%arg9 : memref<!tpu.dma_semaphore, #tpu.memory_space<semaphore_mem>>) {add = true}
    %dma_start3A_34 = arith.constant 124 : i32
    %dma_start3A_35 = arith.constant 0 : i32
    %dma_start3A_36 = tpu.memref_slice %arg6[%dma_start3A_34, %dma_start3A_35] : memref<125x80xi32, #tpu.memory_space<vmem>> -> memref<1x80xi32, #tpu.memory_space<vmem>>
    %dma_start3A_37 = tpu.memref_squeeze %dma_start3A_36 : memref<1x80xi32, #tpu.memory_space<vmem>> -> memref<80xi32, #tpu.memory_space<vmem>>
    %dma_start3A_38 = arith.constant 0 : i32
    %dma_start3A_39 = arith.constant 0 : i32
    %dma_start3A_40 = tpu.memref_slice %arg8[%dma_start3A_38, %dma_start3A_39] : memref<10240x16xf32, #tpu.memory_space<vmem_shared>> -> memref<10240x16xf32, #tpu.memory_space<vmem_shared>>
    tpu.enqueue_indirect_dma source(%arg7 : memref<80x16xf32, #tpu.memory_space<vmem>>) target(%dma_start3A_40 : memref<10240x16xf32, #tpu.memory_space<vmem_shared>>) offsets(%dma_start3A_37 : memref<80xi32, #tpu.memory_space<vmem>>) semaphore(%arg9 : memref<!tpu.dma_semaphore, #tpu.memory_space<semaphore_mem>>) {add = true}
    %dma_wait3A = arith.constant 120 : i32
    %dma_wait3A_41 = arith.constant 0 : i32
    %dma_wait3A_42 = tpu.memref_slice %arg6[%dma_wait3A, %dma_wait3A_41] : memref<125x80xi32, #tpu.memory_space<vmem>> -> memref<1x80xi32, #tpu.memory_space<vmem>>
    %dma_wait3A_43 = tpu.memref_squeeze %dma_wait3A_42 : memref<1x80xi32, #tpu.memory_space<vmem>> -> memref<80xi32, #tpu.memory_space<vmem>>
    %dma_wait3A_44 = arith.constant 0 : i32
    %dma_wait3A_45 = arith.constant 0 : i32
    %dma_wait3A_46 = tpu.memref_slice %arg8[%dma_wait3A_44, %dma_wait3A_45] : memref<10240x16xf32, #tpu.memory_space<vmem_shared>> -> memref<10240x16xf32, #tpu.memory_space<vmem_shared>>
    tpu.wait_indirect_dma semaphore(%arg9 : memref<!tpu.dma_semaphore, #tpu.memory_space<semaphore_mem>>) src(%arg7 : memref<80x16xf32, #tpu.memory_space<vmem>>) dst(%dma_wait3A_46 : memref<10240x16xf32, #tpu.memory_space<vmem_shared>>)
    %dma_wait3A_47 = arith.constant 121 : i32
    %dma_wait3A_48 = arith.constant 0 : i32
    %dma_wait3A_49 = tpu.memref_slice %arg6[%dma_wait3A_47, %dma_wait3A_48] : memref<125x80xi32, #tpu.memory_space<vmem>> -> memref<1x80xi32, #tpu.memory_space<vmem>>
    %dma_wait3A_50 = tpu.memref_squeeze %dma_wait3A_49 : memref<1x80xi32, #tpu.memory_space<vmem>> -> memref<80xi32, #tpu.memory_space<vmem>>
    %dma_wait3A_51 = arith.constant 0 : i32
    %dma_wait3A_52 = arith.constant 0 : i32
    %dma_wait3A_53 = tpu.memref_slice %arg8[%dma_wait3A_51, %dma_wait3A_52] : memref<10240x16xf32, #tpu.memory_space<vmem_shared>> -> memref<10240x16xf32, #tpu.memory_space<vmem_shared>>
    tpu.wait_indirect_dma semaphore(%arg9 : memref<!tpu.dma_semaphore, #tpu.memory_space<semaphore_mem>>) src(%arg7 : memref<80x16xf32, #tpu.memory_space<vmem>>) dst(%dma_wait3A_53 : memref<10240x16xf32, #tpu.memory_space<vmem_shared>>)
    %dma_wait3A_54 = arith.constant 122 : i32
    %dma_wait3A_55 = arith.constant 0 : i32
    %dma_wait3A_56 = tpu.memref_slice %arg6[%dma_wait3A_54, %dma_wait3A_55] : memref<125x80xi32, #tpu.memory_space<vmem>> -> memref<1x80xi32, #tpu.memory_space<vmem>>
    %dma_wait3A_57 = tpu.memref_squeeze %dma_wait3A_56 : memref<1x80xi32, #tpu.memory_space<vmem>> -> memref<80xi32, #tpu.memory_space<vmem>>
    %dma_wait3A_58 = arith.constant 0 : i32
    %dma_wait3A_59 = arith.constant 0 : i32
    %dma_wait3A_60 = tpu.memref_slice %arg8[%dma_wait3A_58, %dma_wait3A_59] : memref<10240x16xf32, #tpu.memory_space<vmem_shared>> -> memref<10240x16xf32, #tpu.memory_space<vmem_shared>>
    tpu.wait_indirect_dma semaphore(%arg9 : memref<!tpu.dma_semaphore, #tpu.memory_space<semaphore_mem>>) src(%arg7 : memref<80x16xf32, #tpu.memory_space<vmem>>) dst(%dma_wait3A_60 : memref<10240x16xf32, #tpu.memory_space<vmem_shared>>)
    %dma_wait3A_61 = arith.constant 123 : i32
    %dma_wait3A_62 = arith.constant 0 : i32
    %dma_wait3A_63 = tpu.memref_slice %arg6[%dma_wait3A_61, %dma_wait3A_62] : memref<125x80xi32, #tpu.memory_space<vmem>> -> memref<1x80xi32, #tpu.memory_space<vmem>>
    %dma_wait3A_64 = tpu.memref_squeeze %dma_wait3A_63 : memref<1x80xi32, #tpu.memory_space<vmem>> -> memref<80xi32, #tpu.memory_space<vmem>>
    %dma_wait3A_65 = arith.constant 0 : i32
    %dma_wait3A_66 = arith.constant 0 : i32
    %dma_wait3A_67 = tpu.memref_slice %arg8[%dma_wait3A_65, %dma_wait3A_66] : memref<10240x16xf32, #tpu.memory_space<vmem_shared>> -> memref<10240x16xf32, #tpu.memory_space<vmem_shared>>
    tpu.wait_indirect_dma semaphore(%arg9 : memref<!tpu.dma_semaphore, #tpu.memory_space<semaphore_mem>>) src(%arg7 : memref<80x16xf32, #tpu.memory_space<vmem>>) dst(%dma_wait3A_67 : memref<10240x16xf32, #tpu.memory_space<vmem_shared>>)
    %dma_wait3A_68 = arith.constant 124 : i32
    %dma_wait3A_69 = arith.constant 0 : i32
    %dma_wait3A_70 = tpu.memref_slice %arg6[%dma_wait3A_68, %dma_wait3A_69] : memref<125x80xi32, #tpu.memory_space<vmem>> -> memref<1x80xi32, #tpu.memory_space<vmem>>
    %dma_wait3A_71 = tpu.memref_squeeze %dma_wait3A_70 : memref<1x80xi32, #tpu.memory_space<vmem>> -> memref<80xi32, #tpu.memory_space<vmem>>
    %dma_wait3A_72 = arith.constant 0 : i32
    %dma_wait3A_73 = arith.constant 0 : i32
    %dma_wait3A_74 = tpu.memref_slice %arg8[%dma_wait3A_72, %dma_wait3A_73] : memref<10240x16xf32, #tpu.memory_space<vmem_shared>> -> memref<10240x16xf32, #tpu.memory_space<vmem_shared>>
    tpu.wait_indirect_dma semaphore(%arg9 : memref<!tpu.dma_semaphore, #tpu.memory_space<semaphore_mem>>) src(%arg7 : memref<80x16xf32, #tpu.memory_space<vmem>>) dst(%dma_wait3A_74 : memref<10240x16xf32, #tpu.memory_space<vmem_shared>>)
    %barrier3A_75 = arith.constant 0 : index
    tpu.barrier barrier_id(%barrier3A_75)
    %mul3A_76 = arith.constant 640 : i32
    %mul3A_77 = arith.muli %arg1, %mul3A_76 : i32
    "tpu.region"() ({
      %run_scoped3A = tpu.sem_alloc : memref<!tpu.dma_semaphore, #tpu.memory_space<semaphore_mem>>
      %dma_start3A_78 = arith.constant 0 : i32
      %dma_start3A_79 = arith.constant 0 : i32
      %dma_start3A_80 = tpu.memref_slice %arg5[%arg0, %arg1, %dma_start3A_78, %dma_start3A_79] : memref<2x16x640x16xf32, #tpu.memory_space<hbm>> -> memref<1x1x640x16xf32, #tpu.memory_space<hbm>>
      %dma_start3A_81 = tpu.memref_squeeze %dma_start3A_80 : memref<1x1x640x16xf32, #tpu.memory_space<hbm>> -> memref<640x16xf32, #tpu.memory_space<hbm>>
      %dma_start3A_82 = arith.constant 0 : i32
      %dma_start3A_83 = tpu.memref_slice %arg8[%mul3A_77, %dma_start3A_82] : memref<10240x16xf32, #tpu.memory_space<vmem_shared>> -> memref<640x16xf32, #tpu.memory_space<vmem_shared>>
      tpu.enqueue_dma source(%dma_start3A_83 : memref<640x16xf32, #tpu.memory_space<vmem_shared>>) target(%dma_start3A_81 : memref<640x16xf32, #tpu.memory_space<hbm>>) target_semaphore(%run_scoped3A : memref<!tpu.dma_semaphore, #tpu.memory_space<semaphore_mem>>)
      %dma_wait3A_84 = arith.constant 0 : i32
      %dma_wait3A_85 = arith.constant 0 : i32
      %dma_wait3A_86 = tpu.memref_slice %arg5[%arg0, %arg1, %dma_wait3A_84, %dma_wait3A_85] : memref<2x16x640x16xf32, #tpu.memory_space<hbm>> -> memref<1x1x640x16xf32, #tpu.memory_space<hbm>>
      %dma_wait3A_87 = tpu.memref_squeeze %dma_wait3A_86 : memref<1x1x640x16xf32, #tpu.memory_space<hbm>> -> memref<640x16xf32, #tpu.memory_space<hbm>>
      %dma_wait3A_88 = arith.constant 0 : i32
      %dma_wait3A_89 = tpu.memref_slice %arg8[%mul3A_77, %dma_wait3A_88] : memref<10240x16xf32, #tpu.memory_space<vmem_shared>> -> memref<640x16xf32, #tpu.memory_space<vmem_shared>>
      tpu.wait_dma2 semaphore(%run_scoped3A : memref<!tpu.dma_semaphore, #tpu.memory_space<semaphore_mem>>) src(%dma_wait3A_89 : memref<640x16xf32, #tpu.memory_space<vmem_shared>>) dst(%dma_wait3A_87 : memref<640x16xf32, #tpu.memory_space<hbm>>)
      tpu.yield
    }) : () -> ()
    return
  }
}

module attributes {stable_mosaic.version = 14 : i64} {
  func.func @body(%arg0: i32, %arg1: memref<2x1000x16xf32, #tpu.memory_space<vmem>>, %arg2: memref<1000x128xf32, #tpu.memory_space<vmem>>, %arg3: memref<1000x128xf32, #tpu.memory_space<vmem>>, %arg4: memref<1000x1xf32, #tpu.memory_space<vmem>>) attributes {dimension_semantics = [#tpu.dimension_semantics<arbitrary>], iteration_bounds = array<i64: 10>, scalar_prefetch = 0 : i64, scratch_operands = 0 : i64, tpu.core_type = #tpu.core_type<tc>, window_params = [{transform_indices = @transform_0, window_bounds = array<i64: 2, 1000, 16>}, {transform_indices = @transform_1, window_bounds = array<i64: 1000, 128>}, {transform_indices = @transform_2, window_bounds = array<i64: 1000, 128>}, {transform_indices = @transform_3, window_bounds = array<i64: 1000, 1>}]} {
    %get3A = arith.constant 0 : index
    %get3A_0 = arith.constant 0 : index
    %get3A_1 = arith.constant 0 : index
    %get3A_2 = vector.load %arg1[%get3A, %get3A_0, %get3A_1] : memref<2x1000x16xf32, #tpu.memory_space<vmem>>, vector<1x1000x1xf32>
    %get3A_3 = vector.shape_cast %get3A_2 : vector<1x1000x1xf32> to vector<1000xf32>
    %get3A_4 = arith.constant 1 : index
    %get3A_5 = arith.constant 0 : index
    %get3A_6 = arith.constant 0 : index
    %get3A_7 = vector.load %arg1[%get3A_4, %get3A_5, %get3A_6] : memref<2x1000x16xf32, #tpu.memory_space<vmem>>, vector<1x1000x1xf32>
    %get3A_8 = vector.shape_cast %get3A_7 : vector<1x1000x1xf32> to vector<1000xf32>
    %add3A = arith.addf %get3A_3, %get3A_8 : vector<1000xf32>
    %max3A = arith.constant 1.000000e+00 : f32
    %max3A_9 = vector.broadcast %max3A : f32 to vector<1000xf32>
    %max3A_10 = arith.maximumf %add3A, %max3A_9 : vector<1000xf32>
    %rsqrt3A = math.rsqrt %max3A_10 : vector<1000xf32>
    %get3A_11 = arith.constant 0 : index
    %get3A_12 = arith.constant 0 : index
    %get3A_13 = vector.load %arg2[%get3A_11, %get3A_12] : memref<1000x128xf32, #tpu.memory_space<vmem>>, vector<1000x128xf32>
    %broadcast_in_dim3A = vector.shape_cast %rsqrt3A : vector<1000xf32> to vector<1000x1xf32>
    %mul3A = vector.broadcast %broadcast_in_dim3A : vector<1000x1xf32> to vector<1000x128xf32>
    %mul3A_14 = arith.mulf %get3A_13, %mul3A : vector<1000x128xf32>
    %swap3A = arith.constant 0 : index
    %swap3A_15 = arith.constant 0 : index
    %swap3A_16 = vector.load %arg3[%swap3A, %swap3A_15] : memref<1000x128xf32, #tpu.memory_space<vmem>>, vector<1000x128xf32>
    tpu.vector_store %arg3[%swap3A, %swap3A_15], %mul3A_14 {strides = array<i32>} : memref<1000x128xf32, #tpu.memory_space<vmem>>, vector<1000x128xf32>,
    %mul3A_17 = arith.constant 0.899999976 : f32
    %mul3A_18 = vector.broadcast %mul3A_17 : f32 to vector<1000xf32>
    %mul3A_19 = arith.mulf %mul3A_18, %rsqrt3A : vector<1000xf32>
    %broadcast_in_dim3A_20 = vector.shape_cast %mul3A_19 : vector<1000xf32> to vector<1000x1xf32>
    %swap3A_21 = arith.constant 0 : index
    %swap3A_22 = arith.constant 0 : index
    %swap3A_23 = vector.load %arg4[%swap3A_21, %swap3A_22] : memref<1000x1xf32, #tpu.memory_space<vmem>>, vector<1000x1xf32>
    tpu.vector_store %arg4[%swap3A_21, %swap3A_22], %broadcast_in_dim3A_20 {strides = array<i32>} : memref<1000x1xf32, #tpu.memory_space<vmem>>, vector<1000x1xf32>,
    return
  }
  func.func @transform_0(%arg0: i32) -> (i32, i32, i32) {
    %c0_i32 = arith.constant 0 : i32
    %c0_i32_0 = arith.constant 0 : i32
    %c0_i32_1 = arith.constant 0 : i32
    return %c0_i32, %arg0, %c0_i32_0 : i32, i32, i32
  }
  func.func @transform_1(%arg0: i32) -> (i32, i32) {
    %c0_i32 = arith.constant 0 : i32
    %c0_i32_0 = arith.constant 0 : i32
    return %arg0, %c0_i32 : i32, i32
  }
  func.func @transform_2(%arg0: i32) -> (i32, i32) {
    %c0_i32 = arith.constant 0 : i32
    %c0_i32_0 = arith.constant 0 : i32
    return %arg0, %c0_i32 : i32, i32
  }
  func.func @transform_3(%arg0: i32) -> (i32, i32) {
    %c0_i32 = arith.constant 0 : i32
    %c0_i32_0 = arith.constant 0 : i32
    return %arg0, %c0_i32 : i32, i32
  }
}

module attributes {stable_mosaic.version = 14 : i64} {
  func.func @body(%arg0: i32, %arg1: memref<2x1000x128xf32, #tpu.memory_space<vmem>>, %arg2: memref<1000x1xf32, #tpu.memory_space<vmem>>, %arg3: memref<1000x128xf32, #tpu.memory_space<vmem>>, %arg4: memref<128x128xf32, #tpu.memory_space<vmem>>, %arg5: memref<128x128xf32, #tpu.memory_space<vmem>>, %arg6: memref<1000x128xf32, #tpu.memory_space<vmem>>) attributes {dimension_semantics = [#tpu.dimension_semantics<arbitrary>], iteration_bounds = array<i64: 10>, scalar_prefetch = 0 : i64, scratch_operands = 0 : i64, tpu.core_type = #tpu.core_type<tc>, window_params = [{transform_indices = @transform_0, window_bounds = array<i64: 2, 1000, 128>}, {transform_indices = @transform_1, window_bounds = array<i64: 1000, 1>}, {transform_indices = @transform_2, window_bounds = array<i64: 1000, 128>}, {pipeline_mode = #tpu.pipeline_mode<synchronous>, transform_indices = @transform_3, window_bounds = array<i64: 128, 128>}, {pipeline_mode = #tpu.pipeline_mode<synchronous>, transform_indices = @transform_4, window_bounds = array<i64: 128, 128>}, {transform_indices = @transform_5, window_bounds = array<i64: 1000, 128>}]} {
    %get3A = arith.constant 0 : index
    %get3A_0 = arith.constant 0 : index
    %get3A_1 = arith.constant 0 : index
    %get3A_2 = vector.load %arg1[%get3A, %get3A_0, %get3A_1] : memref<2x1000x128xf32, #tpu.memory_space<vmem>>, vector<1x1000x128xf32>
    %get3A_3 = vector.shape_cast %get3A_2 : vector<1x1000x128xf32> to vector<1000x128xf32>
    %get3A_4 = arith.constant 1 : index
    %get3A_5 = arith.constant 0 : index
    %get3A_6 = arith.constant 0 : index
    %get3A_7 = vector.load %arg1[%get3A_4, %get3A_5, %get3A_6] : memref<2x1000x128xf32, #tpu.memory_space<vmem>>, vector<1x1000x128xf32>
    %get3A_8 = vector.shape_cast %get3A_7 : vector<1x1000x128xf32> to vector<1000x128xf32>
    %add3A = arith.addf %get3A_3, %get3A_8 : vector<1000x128xf32>
    %get3A_9 = arith.constant 0 : index
    %get3A_10 = arith.constant 0 : index
    %get3A_11 = vector.load %arg2[%get3A_9, %get3A_10] : memref<1000x1xf32, #tpu.memory_space<vmem>>, vector<1000x1xf32>
    %mul3A = vector.broadcast %get3A_11 : vector<1000x1xf32> to vector<1000x128xf32>
    %mul3A_12 = arith.mulf %add3A, %mul3A : vector<1000x128xf32>
    %get3A_13 = arith.constant 0 : index
    %get3A_14 = arith.constant 0 : index
    %get3A_15 = vector.load %arg4[%get3A_13, %get3A_14] : memref<128x128xf32, #tpu.memory_space<vmem>>, vector<128x128xf32>
    %dot_general3A = arith.constant dense<0.000000e+00> : vector<1000x128xf32>
    %dot_general3A_16 = tpu.matmul %mul3A_12, %get3A_15, %dot_general3A {dimension_numbers = #tpu.dot_dimension_numbers<[1], [0], [0], [1], [0, 0, 1, 1], [], []>, precision = #tpu.contract_precision<fp32>, transpose_lhs_hint = false} : vector<1000x128xf32>, vector<128x128xf32>, vector<1000x128xf32> -> vector<1000x128xf32>
    %get3A_17 = arith.constant 0 : index
    %get3A_18 = arith.constant 0 : index
    %get3A_19 = vector.load %arg3[%get3A_17, %get3A_18] : memref<1000x128xf32, #tpu.memory_space<vmem>>, vector<1000x128xf32>
    %get3A_20 = arith.constant 0 : index
    %get3A_21 = arith.constant 0 : index
    %get3A_22 = vector.load %arg5[%get3A_20, %get3A_21] : memref<128x128xf32, #tpu.memory_space<vmem>>, vector<128x128xf32>
    %dot_general3A_23 = arith.constant dense<0.000000e+00> : vector<1000x128xf32>
    %dot_general3A_24 = tpu.matmul %get3A_19, %get3A_22, %dot_general3A_23 {dimension_numbers = #tpu.dot_dimension_numbers<[1], [0], [0], [1], [0, 0, 1, 1], [], []>, precision = #tpu.contract_precision<fp32>, transpose_lhs_hint = false} : vector<1000x128xf32>, vector<128x128xf32>, vector<1000x128xf32> -> vector<1000x128xf32>
    %add3A_25 = arith.addf %dot_general3A_16, %dot_general3A_24 : vector<1000x128xf32>
    %swap3A = arith.constant 0 : index
    %swap3A_26 = arith.constant 0 : index
    %swap3A_27 = vector.load %arg6[%swap3A, %swap3A_26] : memref<1000x128xf32, #tpu.memory_space<vmem>>, vector<1000x128xf32>
    tpu.vector_store %arg6[%swap3A, %swap3A_26], %add3A_25 {strides = array<i32>} : memref<1000x128xf32, #tpu.memory_space<vmem>>, vector<1000x128xf32>,
    return
  }
  func.func @transform_0(%arg0: i32) -> (i32, i32, i32) {
    %c0_i32 = arith.constant 0 : i32
    %c0_i32_0 = arith.constant 0 : i32
    %c0_i32_1 = arith.constant 0 : i32
    return %c0_i32, %arg0, %c0_i32_0 : i32, i32, i32
  }
  func.func @transform_1(%arg0: i32) -> (i32, i32) {
    %c0_i32 = arith.constant 0 : i32
    %c0_i32_0 = arith.constant 0 : i32
    return %arg0, %c0_i32 : i32, i32
  }
  func.func @transform_2(%arg0: i32) -> (i32, i32) {
    %c0_i32 = arith.constant 0 : i32
    %c0_i32_0 = arith.constant 0 : i32
    return %arg0, %c0_i32 : i32, i32
  }
  func.func @transform_3(%arg0: i32) -> (i32, i32) {
    %c0_i32 = arith.constant 0 : i32
    %c0_i32_0 = arith.constant 0 : i32
    %c0_i32_1 = arith.constant 0 : i32
    return %c0_i32, %c0_i32_0 : i32, i32
  }
  func.func @transform_4(%arg0: i32) -> (i32, i32) {
    %c0_i32 = arith.constant 0 : i32
    %c0_i32_0 = arith.constant 0 : i32
    %c0_i32_1 = arith.constant 0 : i32
    return %c0_i32, %c0_i32_0 : i32, i32
  }
  func.func @transform_5(%arg0: i32) -> (i32, i32) {
    %c0_i32 = arith.constant 0 : i32
    %c0_i32_0 = arith.constant 0 : i32
    return %arg0, %c0_i32 : i32, i32
  }
}

</mosaic_0001>

<sc_bundles>
// kernel: kernel.6.cloned.1.call-start
scs
__scs_entry_jumppad:
0x0: {  	(pc) =	sbr.rel $0x88, $3  }
0x1: {  	(tag) =	ssettag $0x0;
	lr =	simm.s32 $0x1  }
0x2: {  	[smem:$0x3F9C] =	sst lr;
	_ =	strace $0xD0000000  }
0x3: {  	_ = 	snop  }
0x4: {  	_ = 	snop  }
0x5: {  	_ = 	snop  }
0x6: {  	_ = 	snop  }
0x7: {  	_ = 	snop  }
__scs_overlays_trampoline_lowered:
0x8: {  	[smem:$0x3FAB] =	sst s0  }
0x9: {  	[smem:$0x3FAC] =	sst s1  }
0xa: {  	[smem:$0x3FAD] =	sst s2  }
0xb: {  	[smem:$0x3FAE] =	sst s3  }
0xc: {  	[smem:$0x3FAF] =	sst s4  }
0xd: {  	[smem:$0x3FB0] =	sst s5  }
0xe: {  	[smem:$0x3FB1] =	sst s6  }
0xf: {  	[smem:$0x3FB2] =	sst s7  }
0x10: {  	[smem:$0x3FB3] =	sst s8  }
0x11: {  	[smem:$0x3FB4] =	sst s9;
	s0 =	simm.s32 @!p0 $0x0  }
0x12: {  	s1 =	sld [smem:$0x3F9A];
	s0 =	simm.s32 @p0 $0x1  }
0x13: {  	[smem:$0x3FB5] =	sst s0;
	s0 =	simm.s32 @!p1 $0x0  }
0x14: {  	s2 =	sld [smem:$0x3F99];
	s0 =	simm.s32 @p1 $0x1  }
0x15: {  	[smem:$0x3FB6] =	sst s0;
	s0 =	simm.s32 @!p2 $0x0  }
0x16: {  	s3 =	sld [smem:$0x3FDB];
	s0 =	simm.s32 @p2 $0x1  }
0x17: {  	s4 =	simm.s32 $0x1BF5;
	[smem:$0x3FB8] =	sst s0  }
0x18: {  	s0 =	sld [smem:$0x3F9B];
	_ =	swait.ge [sflag:s4], $0x0  }
0x19: {  	s7 =	sld [smem:$0x3F9C]  }
0x1a: {  	s8 =	sadd.s32 $0xFFFFE003, lr  }
0x1b: {  	s9 =	sadd.s32 $0xFFFFFEF7, lr;
	s5 =	simm.s32 $0xFFFFFFFF;
	p2 =	slt.u32 s8, $0xFFFFF086  }
0x1c: {  	p1 =	slt.u32 s9, $0xF7A;
	s5 =	simm.s32 @!p2 $0x0  }
0x1d: {  	s5 =	simm.s32 @p1 $0x1;
	p0 =	seq.s32 s7, s2  }
0x1e: {  	s7 =	smul.u32 @!p0 $0xF7A, s2;
	p2 =	seq.s32 @!p0 s5, $0x0  }
0x1f: {  	s9 =	smul.u32 $0xF7A, s1;
	s8 =	simm.s32 @!p0 $0x1BF5;
	p2 =	por !p2, p0  }
0x20: {  	[sflag:s8] =	ssyncset.s32 @!p0 $0xFFFFF086;
	s6 =	sadd.s32 @!p0 s3, s7;
	s7 =	simm.s32 @!p0 $0x108  }
0x21: {  	s3 =	sadd.s32 s3, s9;
	s6 =	sadd.s32 @!p0 $0x88, s6;
	s7 =	simm.s32 @p2 $0x1082  }
0x22: {  	[simem:s7], [sflag:s8] =	dma.local @!p0 [hbm:s6], $0xF7A  }
0x23: {  	s9 =	sor.u32 $0xD0000000, s2;
	s6 =	simm.s32 $0x108;
	_ =	swait.ge @!p0 [sflag:s8], $0x0  }
0x24: {  	s3 =	sadd.s32 $0x88, s3;
	s6 =	simm.s32 @!p1 $0x1082;
	[sflag:s4] =	ssyncset.s32 $0xFFFFF086  }
0x25: {  	[simem:s6], [sflag:s4] =	dma.local [hbm:s3], $0xF7A  }
0x26: {  	[smem:$0x3F9C] =	sst s1;
	(tag) =	ssettag s2;
	_ =	strace s9  }
0x27: {  	s1 =	sld [smem:$0x3FAC]  }
0x28: {  	s2 =	sld [smem:$0x3FAD]  }
0x29: {  	s4 =	sld [smem:$0x3FAF]  }
0x2a: {  	p0 =	seq.s32 s5, $0x0;
	s5 =	sld [smem:$0x3FB0]  }
0x2b: {  	s6 =	sld [smem:$0x3FB1]  }
0x2c: {  	s7 =	sld [smem:$0x3FB2]  }
0x2d: {  	s3 =	simm.s32 $0x108;
	s8 =	sld [smem:$0x3FB3]  }
0x2e: {  	s3 =	simm.s32 @!p0 $0x1082;
	s9 =	sld [smem:$0x3FB4]  }
0x2f: {  	lr =	sadd.s32 s0, s3;
	s0 =	sld [smem:$0x3FAB]  }
0x30: {  	s3 =	sld [smem:$0x3FAE]  }
0x31: {  	[smem:$0x3FB7] =	sst s10  }
0x32: {  	s10 =	sld [smem:$0x3FB5];
	_ =	sdelay $0x3  }
0x33: {  	p0 =	seq.s32 s10, $0x1;
	s10 =	sld [smem:$0x3FB7];
	_ =	sdelay $0x3  }
0x34: {  	[smem:$0x3FB7] =	sst s10  }
0x35: {  	s10 =	sld [smem:$0x3FB6];
	_ =	sdelay $0x3  }
0x36: {  	p1 =	seq.s32 s10, $0x1;
	s10 =	sld [smem:$0x3FB7];
	_ =	sdelay $0x3  }
0x37: {  	[smem:$0x3FB7] =	sst s10  }
0x38: {  	s10 =	sld [smem:$0x3FB8]  }
0x39: {  	_ = 	snop;
	(pc) =	sbr.ind lr, $3  }
0x3a: {  	_ = 	snop  }
0x3b: {  	_ = 	snop  }
0x3c: {  	p2 =	seq.s32 s10, $0x1;
	s10 =	sld [smem:$0x3FB7]  }
0x3d: {  	_ =	shalt  }
0x3e: {  	_ =	shalt  }
0x3f: {  	_ =	shalt  }
0x40: {  	_ =	shalt  }
0x41: {  	_ =	shalt  }
0x42: {  	_ =	shalt  }
0x43: {  	_ =	shalt  }
0x44: {  	_ =	shalt  }
0x45: {  	_ =	shalt  }
0x46: {  	_ =	shalt  }
0x47: {  	_ =	shalt  }
0x48: {  	_ =	shalt  }
0x49: {  	_ =	shalt  }
0x4a: {  	_ =	shalt  }
0x4b: {  	_ =	shalt  }
0x4c: {  	_ =	shalt  }
0x4d: {  	_ =	shalt  }
0x4e: {  	_ =	shalt  }
0x4f: {  	_ =	shalt  }
0x50: {  	_ =	shalt  }
0x51: {  	_ =	shalt  }
0x52: {  	_ =	shalt  }
0x53: {  	_ =	shalt  }
0x54: {  	_ =	shalt  }
0x55: {  	_ =	shalt  }
0x56: {  	_ =	shalt  }
0x57: {  	_ =	shalt  }
0x58: {  	_ =	shalt  }
0x59: {  	_ =	shalt  }
0x5a: {  	_ =	shalt  }
0x5b: {  	_ =	shalt  }
0x5c: {  	_ =	shalt  }
0x5d: {  	_ =	shalt  }
0x5e: {  	_ =	shalt  }
0x5f: {  	_ =	shalt  }
0x60: {  	_ =	shalt  }
0x61: {  	_ =	shalt  }
0x62: {  	_ =	shalt  }
0x63: {  	_ =	shalt  }
0x64: {  	_ =	shalt  }
0x65: {  	_ =	shalt  }
0x66: {  	_ =	shalt  }
0x67: {  	_ =	shalt  }
0x68: {  	_ =	shalt  }
0x69: {  	_ =	shalt  }
0x6a: {  	_ =	shalt  }
0x6b: {  	_ =	shalt  }
0x6c: {  	_ =	shalt  }
0x6d: {  	_ =	shalt  }
0x6e: {  	_ =	shalt  }
0x6f: {  	_ =	shalt  }
0x70: {  	_ =	shalt  }
0x71: {  	_ =	shalt  }
0x72: {  	_ =	shalt  }
0x73: {  	_ =	shalt  }
0x74: {  	_ =	shalt  }
0x75: {  	_ =	shalt  }
0x76: {  	_ =	shalt  }
0x77: {  	_ =	shalt  }
0x78: {  	_ =	shalt  }
0x79: {  	_ =	shalt  }
0x7a: {  	_ =	shalt  }
0x7b: {  	_ =	shalt  }
0x7c: {  	_ =	shalt  }
0x7d: {  	_ =	shalt  }
0x7e: {  	_ =	shalt  }
0x7f: {  	_ =	shalt  }
0x80: {  	_ =	shalt  }
0x81: {  	_ =	shalt  }
0x82: {  	_ =	shalt  }
0x83: {  	_ =	shalt  }
0x84: {  	_ =	shalt  }
0x85: {  	_ =	shalt  }
0x86: {  	_ =	shalt  }
0x87: {  	_ =	shalt  }
.Lfunc_end0:
.L_simem_size_0:
called_computation_lowered:
.L_overlay_start_0:
0x88: {  	s2 =	sld [smem:$0x3FD9]  }
0x89: {  	s3 =	sld [smem:$0x3FFE];
	_ =	sdelay $0x1  }
0x8a: {  	s1 =	srdreg.scid  }
0x8b: {  	s0 =	sand.u32 $0x1, s1  }
0x8c: {  	s17 =	sshll.u32 s0, $0xA;
	s2 =	sadd.s32 s3, s2  }
0x8d: {  	s2 =	sadd.s32 s2, s17  }
0x8e: {  	[smem:$0x3FC3] =	sst s2  }
0x8f: {  	_ = 	snop  }
0x90: {  	s2 =	sld [smem:$0x3FD0];
	(tm) =	ssettm $0x1  }
0x91: {  	s18 =	sld [smem:$0x3FFB];
	_ =	sdelay $0x3  }
0x92: {  	_ =	strace s18  }
0x93: {  	s3 =	sld [smem:$0x3FFC];
	_ =	sdelay $0x3  }
0x94: {  	_ =	strace s3  }
0x95: {  	s3 =	sld [smem:$0x3FFD];
	_ =	sdelay $0x3  }
0x96: {  	_ =	strace s3  }
0x97: {  	_ =	strace $0x8FFFFFFF  }
0x98: {  	s19 =	sld [smem:$0x3FDB];
	_ =	sdelay $0x1  }
0x99: {  	s4 =	simm.s32 $_scs_section_size  }
0x9a: {  	s5 =	simm.s32 $_size__tile_overlayer_lowered;
	s6 =	simm.s32 $_tile_overlayer_lowered  }
0x9b: {  	s22 =	simm.s32 $0x1BFF;
	s21 =	sshll.u32 s6, $0x1;
	s3 =	sadd.s32 s4, s19  }
0x9c: {  	s7 =	simm.s32 $0x0;
	s20 =	sshll.u32 s5, $0x1;
	s5 =	sadd.s32 s21, s3  }
0x9d: {  	[timem:s7], [sflag:s22] =	dma.local [hbm:s5], s20  }
0x9e: {  	_ =	swait.ge [sflag:s22], s20  }
0x9f: {  	s4 =	ssub.s32 $0x0, s20;
	[sflag:s22] =	ssyncset.done $0x0  }
0xa0: {  	[sflag:s22] =	ssyncadd.s32 s4;
	_ =	sdelay $0x1  }
0xa1: {  	s23 =	simm.s32 $0x1B8B  }
0xa2: {  	_ =	swait.ge [sflag:s23], $0x1  }
0xa3: {  	[sflag:s23] =	ssyncset.done $0x0  }
0xa4: {  	s25 =	simm.s32 $0x1B8E;
	s24 =	sld [smem:$0x3FFE];
	[sflag:s23] =	ssyncadd.s32 $0xFFFFFFFF  }
0xa5: {  	s26 =	simm.s32 $execute0_lowered;
	[smem:$0x3FD2] =	sst s25  }
0xa6: {  	s5 =	sshll.u32 s26, $0x1;
	_ =	strace $0x80000046;
	[dreg:$0x1] =	wrdreg $0xFFFFFFFF  }
0xa7: {  	s28 =	simm.s32 $_size_execute0_lowered;
	s3 =	sadd.s32 s3, s5;
	[dreg:$0x0] =	wrdreg $0x0  }
0xa8: {  	s5 =	sshll.u32 s28, $0x1;
	[dreg:$0x2] =	wrdreg s3  }
0xa9: {  	[dreg:$0x3] =	wrdreg s5  }
0xaa: {  	[dreg:$0x4] =	wrdreg $0xC0  }
0xab: {  	_ =	task [dreg:s7], $0x5FFFF  }
0xac: {  	[dreg:$0x1] =	wrdreg $0xFFFFFFFF  }
0xad: {  	[dreg:$0x0] =	wrdreg $0x60  }
0xae: {  	[dreg:$0x2] =	wrdreg s24  }
0xaf: {  	[dreg:$0x3] =	wrdreg s2  }
0xb0: {  	[dreg:$0x4] =	wrdreg $0x2C100  }
0xb1: {  	[dreg:$0x5] =	wrdreg $0x9  }
0xb2: {  	_ =	task.clear_ibuf [dreg:s7], $0x6FFFF;
	_ =	strace $0x90000046  }
0xb3: {  	s29 =	simm.s32 $0x9;
	_ =	strace $0x80000048  }
0xb4: {  	_ =	swait.ge [sflag:s29], $0x1  }
0xb5: {  	[sflag:s29] =	ssyncadd.s32 $0xFFFFFFFF  }
0xb6: {  	_ =	strace $0x90000048  }
0xb7: {  	_ =	sfence  }
0xb8: {  	s30 =	sld [smem:$0x0];
	_ =	sdelay $0x2  }
0xb9: {  	s31 =	sshll.u32 s1, $0xD;
	s1 =	sshrl.u32 s1, $0x2  }
0xba: {  	s3 =	sand.u32 $0x4000, s31;
	s1 =	sadd.s32 s1, s30  }
0xbb: {  	s0 =	sor.u32 s3, s0;
	s1 =	sshll.u32 s1, $0x11  }
0xbc: {  	s0 =	sor.u32 s1, s0  }
0xbd: {  	s0 =	sadd.s32 $0x8F2B, s0  }
0xbe: {  	[sflag:s0] =	ssyncadd.remote.s32 $0x1  }
0xbf: {  	_ =	sfence.sel $0xFFFF  }
0xc0: {  	[dreg:$0x0] =	wrdreg $0xFFFFFFFF;
	(pc) =	sbr.abs _section_cstart, $3  }
0xc1: {  	[dreg:$0x1] =	wrdreg $0xFFFFFFFF  }
0xc2: {  	_ =	task.clear_ibuf [dreg:s7], $0x2FFFF;
	_ =	strace $0x9FFFFFFF  }
0xc3: {  	(tm) =	ssettm $0x7FFFFFFF  }
tec
execute0_lowered:
.L_overlay_start_1:
0x0: {  	(tag) =	ssettag $0x1  }
0x1: {  	s5 =	rddreg [dreg:$0x0]  }
0x2: {  	s0 =	srdreg.scid;
	s8 =	rddreg [dreg:$0x1]  }
0x3: {  	s2 =	rddreg [dreg:$0x2];
	s3 =	simm.s32 $0x0;
	s13 =	simm.s32 $0x50  }
0x4: {  	s14 =	simm.s32 $0x1;
	s15 =	simm.s32 $0x2580;
	s16 =	simm.s32 $0x25D0  }
0x5: {  	s17 =	simm.s32 $0x2620;
	s4 =	sand.u32 $0x1, s0;
	s0 =	stileid.u32  }
0x6: {  	s18 =	simm.s32 $0x2670;
	s19 =	simm.s32 $0x26C0;
	s7 =	smul.u32 $0xA000, s0  }
0x7: {  	s20 =	simm.s32 $0x0;
	[smem:$0x7FF] =	sst s3;
	s9 =	smul.u32 $0x28000, s4  }
0x8: {  	s1 =	sshll.u32 s4, $0x4;
	s26 =	ssub.s32 $0x2, s4;
	s11 =	smul.u32 $0x2800, s0  }
0x9: {  	s4 =	sadd.s32 $0xBC00, s5;
	s31 =	sshll.u32 s0, $0x6;
	s6 =	sor.u32 s0, s1  }
0xa: {  	s1 =	rddreg [dreg:$0x3];
	_ =	strace $0x80000047;
	s12 =	sshrl.u32 s26, $0x1  }
0xb: {  	s6 =	smul.u32 $0x4E2, s6;
	s12 =	ssub.s32 s26, s12;
	s28 =	sshrl.u32 s7, $0x2  }
0xc: {  	s29 =	sadd.s32 s11, s9;
	s11 =	simm.s32 $0x2;
	s30 =	sadd.s32 s28, s2  }
0xd: {  	s9 =	sshrl.u32 s29, $0x3;
	s10 =	sadd.s32 s6, s5;
	s5 =	sadd.s32 $0xC200, s5  }
0xe: {  	s6 =	sor.u32 $0x1C02, s31;
	s8 =	sadd.s32 s8, s9;
	s9 =	smax.u32 s12, $0x1  }
0xf: {  	s12 =	simm.s32 $0x2710;
	s7 =	sadd.s32 $0x1E00, s10;
	s10 =	sshrl.u32 s30, $0x3  }
.LBB2_1:
0x10: {  	[spmem:s10], [sflag:s6] =	dma.local [hbm:s4], $0x500  }
0x11: {  	_ =	swait.ge [sflag:s11], $0x500  }
0x12: {  	[sflag:s11] =	ssyncset.done $0x0  }
0x13: {  	[sflag:s11] =	ssyncadd.s32 $0xFFFFFB00  }
0x14: {  	[tilespmem:s12], [sflag:$0x2] =	stream.linear.gather [hbm4b:s5+s3], $0x500, $0x38;
	[tilespmem:$0x5410] =	vst v63  }
0x15: {  	_ =	swait.ge [sflag:s11], $0x500  }
0x16: {  	[sflag:s11] =	ssyncset.done $0x0  }
0x17: {  	[sflag:s11] =	ssyncadd.s32 $0xFFFFFB00  }
0x18: {  	[tilespmem:s3], [sflag:$0x2] =	stream.linear.gather [hbm4b:s7+s3], $0x2710, $0x38;
	[tilespmem:$0x5410] =	vst v63  }
0x19: {  	_ =	swait.ge [sflag:s11], $0x2710  }
0x1a: {  	[sflag:s11] =	ssyncset.done $0x0  }
0x1b: {  	[sflag:s11] =	ssyncadd.s32 $0xFFFFD8F0  }
0x1c: {  	s21 =	simm.s32 $0x0;
	[bflag:$0x0] =	sbarrier.arrive $0xFFFF  }
0x1d: {  	[spmem:s2] =	stream.indirect.scatter.add.f32 [tilespmem:s12], [sflag:$0x1], $0x10, s21, s13, $0xb8;
	[tilespmem:$0x5410] =	vst v63  }
0x1e: {  	s24 =	simm.s32 $0x50  }
0x1f: {  	[spmem:s2] =	stream.indirect.scatter.add.f32 [tilespmem:s12], [sflag:$0x1], $0x10, s24, s13, $0xb8;
	[tilespmem:$0x5410] =	vst v63  }
0x20: {  	s25 =	simm.s32 $0xA0  }
0x21: {  	[spmem:s2] =	stream.indirect.scatter.add.f32 [tilespmem:s12], [sflag:$0x1], $0x10, s25, s13, $0xb8;
	[tilespmem:$0x5410] =	vst v63  }
0x22: {  	s26 =	simm.s32 $0xF0  }
0x23: {  	[spmem:s2] =	stream.indirect.scatter.add.f32 [tilespmem:s12], [sflag:$0x1], $0x10, s26, s13, $0xb8;
	[tilespmem:$0x5410] =	vst v63  }
0x24: {  	s28 =	simm.s32 $0x140  }
0x25: {  	[spmem:s2] =	stream.indirect.scatter.add.f32 [tilespmem:s12], [sflag:$0x1], $0x10, s28, s13, $0xb8;
	[tilespmem:$0x5410] =	vst v63  }
0x26: {  	s29 =	simm.s32 $0x190  }
0x27: {  	[spmem:s2] =	stream.indirect.scatter.add.f32 [tilespmem:s12], [sflag:$0x1], $0x10, s29, s13, $0xb8;
	[tilespmem:$0x5410] =	vst v63  }
0x28: {  	s30 =	simm.s32 $0x1E0  }
0x29: {  	[spmem:s2] =	stream.indirect.scatter.add.f32 [tilespmem:s12], [sflag:$0x1], $0x10, s30, s13, $0xb8;
	[tilespmem:$0x5410] =	vst v63  }
0x2a: {  	s31 =	simm.s32 $0x230  }
0x2b: {  	[spmem:s2] =	stream.indirect.scatter.add.f32 [tilespmem:s12], [sflag:$0x1], $0x10, s31, s13, $0xb8;
	[tilespmem:$0x5410] =	vst v63  }
0x2c: {  	_ =	swait.ge [sflag:s14], $0x500  }
0x2d: {  	[sflag:s14] =	ssyncset.done $0x0  }
0x2e: {  	[sflag:s14] =	ssyncadd.s32 $0xFFFFFB00  }
0x2f: {  	_ =	swait.ge [sflag:s14], $0x500  }
0x30: {  	[sflag:s14] =	ssyncset.done $0x0  }
0x31: {  	[sflag:s14] =	ssyncadd.s32 $0xFFFFFB00  }
0x32: {  	_ =	swait.ge [sflag:s14], $0x500  }
0x33: {  	[sflag:s14] =	ssyncset.done $0x0  }
0x34: {  	[sflag:s14] =	ssyncadd.s32 $0xFFFFFB00  }
0x35: {  	_ =	swait.ge [sflag:s14], $0x500  }
0x36: {  	[sflag:s14] =	ssyncset.done $0x0  }
0x37: {  	[sflag:s14] =	ssyncadd.s32 $0xFFFFFB00  }
0x38: {  	_ =	swait.ge [sflag:s14], $0x500  }
0x39: {  	[sflag:s14] =	ssyncset.done $0x0  }
0x3a: {  	[sflag:s14] =	ssyncadd.s32 $0xFFFFFB00  }
0x3b: {  	_ =	swait.ge [sflag:s14], $0x500  }
0x3c: {  	[sflag:s14] =	ssyncset.done $0x0  }
0x3d: {  	[sflag:s14] =	ssyncadd.s32 $0xFFFFFB00  }
0x3e: {  	_ =	swait.ge [sflag:s14], $0x500  }
0x3f: {  	[sflag:s14] =	ssyncset.done $0x0  }
0x40: {  	[sflag:s14] =	ssyncadd.s32 $0xFFFFFB00  }
0x41: {  	_ =	swait.ge [sflag:s14], $0x500  }
0x42: {  	s23 =	simm.s32 $0x1400;
	s21 =	simm.s32 $0xA00;
	[sflag:s14] =	ssyncset.done $0x0  }
.LBB2_2:
0x43: {  	s24 =	sshra.s32 s21, $0x2  }
0x44: {  	[sflag:s14] =	ssyncadd.s32 $0xFFFFFB00;
	s21 =	smov.u32 s23;
	s22 =	sadd.s32 $0xA00, s23  }
0x45: {  	[spmem:s2] =	stream.indirect.scatter.add.f32 [tilespmem:s12], [sflag:$0x1], $0x10, s24, s13, $0xb8;
	[tilespmem:$0x5410] =	vst v63  }
0x46: {  	p0 =	sne.s32 s23, $0x8C00;
	s23 =	sadd.s32 $0x50, s24  }
0x47: {  	[spmem:s2] =	stream.indirect.scatter.add.f32 [tilespmem:s12], [sflag:$0x1], $0x10, s23, s13, $0xb8;
	[tilespmem:$0x5410] =	vst v63  }
0x48: {  	s23 =	sadd.s32 $0xA0, s24  }
0x49: {  	[spmem:s2] =	stream.indirect.scatter.add.f32 [tilespmem:s12], [sflag:$0x1], $0x10, s23, s13, $0xb8;
	[tilespmem:$0x5410] =	vst v63  }
0x4a: {  	s23 =	sadd.s32 $0xF0, s24  }
0x4b: {  	[spmem:s2] =	stream.indirect.scatter.add.f32 [tilespmem:s12], [sflag:$0x1], $0x10, s23, s13, $0xb8;
	[tilespmem:$0x5410] =	vst v63  }
0x4c: {  	s23 =	sadd.s32 $0x140, s24  }
0x4d: {  	[spmem:s2] =	stream.indirect.scatter.add.f32 [tilespmem:s12], [sflag:$0x1], $0x10, s23, s13, $0xb8;
	[tilespmem:$0x5410] =	vst v63  }
0x4e: {  	s23 =	sadd.s32 $0x190, s24  }
0x4f: {  	[spmem:s2] =	stream.indirect.scatter.add.f32 [tilespmem:s12], [sflag:$0x1], $0x10, s23, s13, $0xb8;
	[tilespmem:$0x5410] =	vst v63  }
0x50: {  	s23 =	sadd.s32 $0x1E0, s24  }
0x51: {  	[spmem:s2] =	stream.indirect.scatter.add.f32 [tilespmem:s12], [sflag:$0x1], $0x10, s23, s13, $0xb8;
	[tilespmem:$0x5410] =	vst v63  }
0x52: {  	s23 =	sadd.s32 $0x230, s24  }
0x53: {  	[spmem:s2] =	stream.indirect.scatter.add.f32 [tilespmem:s12], [sflag:$0x1], $0x10, s23, s13, $0xb8;
	[tilespmem:$0x5410] =	vst v63  }
0x54: {  	_ =	swait.ge [sflag:s14], $0x500  }
0x55: {  	[sflag:s14] =	ssyncset.done $0x0  }
0x56: {  	[sflag:s14] =	ssyncadd.s32 $0xFFFFFB00  }
0x57: {  	_ =	swait.ge [sflag:s14], $0x500  }
0x58: {  	[sflag:s14] =	ssyncset.done $0x0  }
0x59: {  	[sflag:s14] =	ssyncadd.s32 $0xFFFFFB00  }
0x5a: {  	_ =	swait.ge [sflag:s14], $0x500  }
0x5b: {  	[sflag:s14] =	ssyncset.done $0x0  }
0x5c: {  	[sflag:s14] =	ssyncadd.s32 $0xFFFFFB00  }
0x5d: {  	_ =	swait.ge [sflag:s14], $0x500  }
0x5e: {  	[sflag:s14] =	ssyncset.done $0x0  }
0x5f: {  	[sflag:s14] =	ssyncadd.s32 $0xFFFFFB00  }
0x60: {  	_ =	swait.ge [sflag:s14], $0x500  }
0x61: {  	[sflag:s14] =	ssyncset.done $0x0  }
0x62: {  	[sflag:s14] =	ssyncadd.s32 $0xFFFFFB00  }
0x63: {  	_ =	swait.ge [sflag:s14], $0x500  }
0x64: {  	[sflag:s14] =	ssyncset.done $0x0  }
0x65: {  	[sflag:s14] =	ssyncadd.s32 $0xFFFFFB00  }
.Ltmp0:
0x66: {  	_ =	swait.ge [sflag:s14], $0x500;
	(pc) =	sbr.rel @p0 .LBB2_2-.Ltmp0, $4  }
0x67: {  	[sflag:s14] =	ssyncset.done $0x0  }
0x68: {  	[sflag:s14] =	ssyncadd.s32 $0xFFFFFB00  }
0x69: {  	_ =	swait.ge [sflag:s14], $0x500  }
0x6a: {  	s23 =	smov.u32 s22;
	[sflag:s14] =	ssyncset.done $0x0  }
0x6b: {  	s21 =	sshra.s32 s21, $0x2;
	[sflag:s14] =	ssyncadd.s32 $0xFFFFFB00  }
0x6c: {  	[spmem:s2] =	stream.indirect.scatter.add.f32 [tilespmem:s12], [sflag:$0x1], $0x10, s21, s13, $0xb8;
	[tilespmem:$0x5410] =	vst v63  }
0x6d: {  	s22 =	sadd.s32 $0x50, s21  }
0x6e: {  	[spmem:s2] =	stream.indirect.scatter.add.f32 [tilespmem:s12], [sflag:$0x1], $0x10, s22, s13, $0xb8;
	[tilespmem:$0x5410] =	vst v63  }
0x6f: {  	s26 =	sadd.s32 $0xA0, s21  }
0x70: {  	[spmem:s2] =	stream.indirect.scatter.add.f32 [tilespmem:s12], [sflag:$0x1], $0x10, s26, s13, $0xb8;
	[tilespmem:$0x5410] =	vst v63  }
0x71: {  	s28 =	sadd.s32 $0xF0, s21  }
0x72: {  	[spmem:s2] =	stream.indirect.scatter.add.f32 [tilespmem:s12], [sflag:$0x1], $0x10, s28, s13, $0xb8;
	[tilespmem:$0x5410] =	vst v63  }
0x73: {  	s29 =	sadd.s32 $0x140, s21  }
0x74: {  	[spmem:s2] =	stream.indirect.scatter.add.f32 [tilespmem:s12], [sflag:$0x1], $0x10, s29, s13, $0xb8;
	[tilespmem:$0x5410] =	vst v63  }
0x75: {  	s30 =	sadd.s32 $0x190, s21  }
0x76: {  	[spmem:s2] =	stream.indirect.scatter.add.f32 [tilespmem:s12], [sflag:$0x1], $0x10, s30, s13, $0xb8;
	[tilespmem:$0x5410] =	vst v63  }
0x77: {  	s31 =	sadd.s32 $0x1E0, s21  }
0x78: {  	[spmem:s2] =	stream.indirect.scatter.add.f32 [tilespmem:s12], [sflag:$0x1], $0x10, s31, s13, $0xb8;
	[tilespmem:$0x5410] =	vst v63  }
0x79: {  	s21 =	sadd.s32 $0x230, s21  }
0x7a: {  	[spmem:s2] =	stream.indirect.scatter.add.f32 [tilespmem:s12], [sflag:$0x1], $0x10, s21, s13, $0xb8;
	[tilespmem:$0x5410] =	vst v63  }
0x7b: {  	_ =	swait.ge [sflag:s14], $0x500  }
0x7c: {  	[sflag:s14] =	ssyncset.done $0x0  }
0x7d: {  	[sflag:s14] =	ssyncadd.s32 $0xFFFFFB00  }
0x7e: {  	_ =	swait.ge [sflag:s14], $0x500  }
0x7f: {  	[sflag:s14] =	ssyncset.done $0x0  }
0x80: {  	[sflag:s14] =	ssyncadd.s32 $0xFFFFFB00  }
0x81: {  	_ =	swait.ge [sflag:s14], $0x500  }
0x82: {  	[sflag:s14] =	ssyncset.done $0x0  }
0x83: {  	[sflag:s14] =	ssyncadd.s32 $0xFFFFFB00  }
0x84: {  	_ =	swait.ge [sflag:s14], $0x500  }
0x85: {  	[sflag:s14] =	ssyncset.done $0x0  }
0x86: {  	[sflag:s14] =	ssyncadd.s32 $0xFFFFFB00  }
0x87: {  	_ =	swait.ge [sflag:s14], $0x500  }
0x88: {  	[sflag:s14] =	ssyncset.done $0x0  }
0x89: {  	[sflag:s14] =	ssyncadd.s32 $0xFFFFFB00  }
0x8a: {  	_ =	swait.ge [sflag:s14], $0x500  }
0x8b: {  	[sflag:s14] =	ssyncset.done $0x0  }
0x8c: {  	[sflag:s14] =	ssyncadd.s32 $0xFFFFFB00  }
0x8d: {  	_ =	swait.ge [sflag:s14], $0x500  }
0x8e: {  	[sflag:s14] =	ssyncset.done $0x0  }
0x8f: {  	[sflag:s14] =	ssyncadd.s32 $0xFFFFFB00  }
0x90: {  	_ =	swait.ge [sflag:s14], $0x500  }
0x91: {  	[sflag:s14] =	ssyncset.done $0x0  }
0x92: {  	[sflag:s14] =	ssyncadd.s32 $0xFFFFFB00  }
0x93: {  	[spmem:s2] =	stream.indirect.scatter.add.f32 [tilespmem:s12], [sflag:$0x1], $0x10, s15, s13, $0xb8;
	[tilespmem:$0x5410] =	vst v63  }
0x94: {  	_ = 	snop  }
0x95: {  	[spmem:s2] =	stream.indirect.scatter.add.f32 [tilespmem:s12], [sflag:$0x1], $0x10, s16, s13, $0xb8;
	[tilespmem:$0x5410] =	vst v63  }
0x96: {  	_ = 	snop  }
0x97: {  	[spmem:s2] =	stream.indirect.scatter.add.f32 [tilespmem:s12], [sflag:$0x1], $0x10, s17, s13, $0xb8;
	[tilespmem:$0x5410] =	vst v63  }
0x98: {  	_ = 	snop  }
0x99: {  	[spmem:s2] =	stream.indirect.scatter.add.f32 [tilespmem:s12], [sflag:$0x1], $0x10, s18, s13, $0xb8;
	[tilespmem:$0x5410] =	vst v63  }
0x9a: {  	_ = 	snop  }
0x9b: {  	[spmem:s2] =	stream.indirect.scatter.add.f32 [tilespmem:s12], [sflag:$0x1], $0x10, s19, s13, $0xb8;
	[tilespmem:$0x5410] =	vst v63  }
0x9c: {  	_ =	swait.ge [sflag:s14], $0x500  }
0x9d: {  	[sflag:s14] =	ssyncset.done $0x0  }
0x9e: {  	[sflag:s14] =	ssyncadd.s32 $0xFFFFFB00  }
0x9f: {  	_ =	swait.ge [sflag:s14], $0x500  }
0xa0: {  	[sflag:s14] =	ssyncset.done $0x0  }
0xa1: {  	[sflag:s14] =	ssyncadd.s32 $0xFFFFFB00  }
0xa2: {  	_ =	swait.ge [sflag:s14], $0x500  }
0xa3: {  	[sflag:s14] =	ssyncset.done $0x0  }
0xa4: {  	[sflag:s14] =	ssyncadd.s32 $0xFFFFFB00  }
0xa5: {  	_ =	swait.ge [sflag:s14], $0x500  }
0xa6: {  	[sflag:s14] =	ssyncset.done $0x0  }
0xa7: {  	[sflag:s14] =	ssyncadd.s32 $0xFFFFFB00  }
0xa8: {  	_ =	swait.ge [sflag:s14], $0x500  }
0xa9: {  	s20 =	sadd.s32 $0x1, s20;
	[sflag:s14] =	ssyncset.done $0x0  }
0xaa: {  	p0 =	sne.s32 s20, s9;
	[sflag:s14] =	ssyncadd.s32 $0xFFFFFB00  }
.Ltmp1:
0xab: {  	[bflag:$0x0] =	sbarrier.arrive $0xFFFF;
	(pc) =	sbr.rel @p0 .LBB2_1-.Ltmp1, $4  }
0xac: {  	[hbm:s8], [sflag:s6] =	dma.local [spmem:s10], $0x500  }
0xad: {  	_ =	swait.ge [sflag:s11], $0x500  }
0xae: {  	[sflag:s11] =	ssyncset.done $0x0  }
0xaf: {  	[sflag:s11] =	ssyncadd.s32 $0xFFFFFB00  }
0xb0: {  	_ =	sfence.sel $0x180000  }
0xb1: {  	[bflag:$0x0] =	sbarrier.arrive $0xFFFF  }
0xb2: {  	p0 =	sne.s32 s0, $0x0;
	_ =	strace $0x90000047  }
0xb3: {  	s0 =	sadd.s32 @!p0 $0x100000, s1;
	[bflag:$0x2] =	sbarrier.arrive $0xFFFF  }
0xb4: {  	[sflag:s0] =	ssyncadd.tile.s32 @!p0 $0x1;
	_ =	shalt  }
.Lfunc_end2:
_tile_overlayer_lowered:
.L_overlay_start_2:
0xb5: {  	(tag) =	ssettag $0x2  }
0xb6: {  	s0 =	rddreg [dreg:$0x0];
	s2 =	stileid.u32  }
0xb7: {  	s1 =	rddreg [dreg:$0x1];
	p0 =	sne.s32 s2, $0x0  }
0xb8: {  	s3 =	rddreg [dreg:$0x2];
	[bflag:$0x3] =	sbarrier.arrive $0xFFFF;
	s2 =	simm.s32 @!p0 $0x1C02  }
0xb9: {  	[timem:s3], [sflag:s2] =	dma.local @!p0 [hbm:s0], s1  }
0xba: {  	s0 =	simm.s32 @!p0 $0x2  }
0xbb: {  	_ =	swait.ge @!p0 [sflag:s0], s1  }
0xbc: {  	s1 =	ssub.s32 @!p0 $0x0, s1;
	[sflag:s0] =	ssyncset.done @!p0 $0x0  }
0xbd: {  	[sflag:s0] =	ssyncadd.s32 @!p0 s1  }
0xbe: {  	[bflag:$0x3] =	sbarrier.arrive $0xFFFF  }
0xbf: {  	_ =	shalt  }

// kernel: kernel.9.cloned.1.call-start
scs
__scs_entry_jumppad:
0x0: {  	(pc) =	sbr.rel $0x88, $3  }
0x1: {  	(tag) =	ssettag $0x0;
	lr =	simm.s32 $0x1  }
0x2: {  	[smem:$0x3F9C] =	sst lr;
	_ =	strace $0xD0000000  }
0x3: {  	_ = 	snop  }
0x4: {  	_ = 	snop  }
0x5: {  	_ = 	snop  }
0x6: {  	_ = 	snop  }
0x7: {  	_ = 	snop  }
__scs_overlays_trampoline_lowered:
0x8: {  	[smem:$0x3FAB] =	sst s0  }
0x9: {  	[smem:$0x3FAC] =	sst s1  }
0xa: {  	[smem:$0x3FAD] =	sst s2  }
0xb: {  	[smem:$0x3FAE] =	sst s3  }
0xc: {  	[smem:$0x3FAF] =	sst s4  }
0xd: {  	[smem:$0x3FB0] =	sst s5  }
0xe: {  	[smem:$0x3FB1] =	sst s6  }
0xf: {  	[smem:$0x3FB2] =	sst s7  }
0x10: {  	[smem:$0x3FB3] =	sst s8  }
0x11: {  	[smem:$0x3FB4] =	sst s9;
	s0 =	simm.s32 @!p0 $0x0  }
0x12: {  	s1 =	sld [smem:$0x3F9A];
	s0 =	simm.s32 @p0 $0x1  }
0x13: {  	[smem:$0x3FB5] =	sst s0;
	s0 =	simm.s32 @!p1 $0x0  }
0x14: {  	s2 =	sld [smem:$0x3F99];
	s0 =	simm.s32 @p1 $0x1  }
0x15: {  	[smem:$0x3FB6] =	sst s0;
	s0 =	simm.s32 @!p2 $0x0  }
0x16: {  	s3 =	sld [smem:$0x3FDB];
	s0 =	simm.s32 @p2 $0x1  }
0x17: {  	s4 =	simm.s32 $0x1BF5;
	[smem:$0x3FB8] =	sst s0  }
0x18: {  	s0 =	sld [smem:$0x3F9B];
	_ =	swait.ge [sflag:s4], $0x0  }
0x19: {  	s7 =	sld [smem:$0x3F9C]  }
0x1a: {  	s8 =	sadd.s32 $0xFFFFE003, lr  }
0x1b: {  	s9 =	sadd.s32 $0xFFFFFEF7, lr;
	s5 =	simm.s32 $0xFFFFFFFF;
	p2 =	slt.u32 s8, $0xFFFFF086  }
0x1c: {  	p1 =	slt.u32 s9, $0xF7A;
	s5 =	simm.s32 @!p2 $0x0  }
0x1d: {  	s5 =	simm.s32 @p1 $0x1;
	p0 =	seq.s32 s7, s2  }
0x1e: {  	s7 =	smul.u32 @!p0 $0xF7A, s2;
	p2 =	seq.s32 @!p0 s5, $0x0  }
0x1f: {  	s9 =	smul.u32 $0xF7A, s1;
	s8 =	simm.s32 @!p0 $0x1BF5;
	p2 =	por !p2, p0  }
0x20: {  	[sflag:s8] =	ssyncset.s32 @!p0 $0xFFFFF086;
	s6 =	sadd.s32 @!p0 s3, s7;
	s7 =	simm.s32 @!p0 $0x108  }
0x21: {  	s3 =	sadd.s32 s3, s9;
	s6 =	sadd.s32 @!p0 $0x88, s6;
	s7 =	simm.s32 @p2 $0x1082  }
0x22: {  	[simem:s7], [sflag:s8] =	dma.local @!p0 [hbm:s6], $0xF7A  }
0x23: {  	s9 =	sor.u32 $0xD0000000, s2;
	s6 =	simm.s32 $0x108;
	_ =	swait.ge @!p0 [sflag:s8], $0x0  }
0x24: {  	s3 =	sadd.s32 $0x88, s3;
	s6 =	simm.s32 @!p1 $0x1082;
	[sflag:s4] =	ssyncset.s32 $0xFFFFF086  }
0x25: {  	[simem:s6], [sflag:s4] =	dma.local [hbm:s3], $0xF7A  }
0x26: {  	[smem:$0x3F9C] =	sst s1;
	(tag) =	ssettag s2;
	_ =	strace s9  }
0x27: {  	s1 =	sld [smem:$0x3FAC]  }
0x28: {  	s2 =	sld [smem:$0x3FAD]  }
0x29: {  	s4 =	sld [smem:$0x3FAF]  }
0x2a: {  	p0 =	seq.s32 s5, $0x0;
	s5 =	sld [smem:$0x3FB0]  }
0x2b: {  	s6 =	sld [smem:$0x3FB1]  }
0x2c: {  	s7 =	sld [smem:$0x3FB2]  }
0x2d: {  	s3 =	simm.s32 $0x108;
	s8 =	sld [smem:$0x3FB3]  }
0x2e: {  	s3 =	simm.s32 @!p0 $0x1082;
	s9 =	sld [smem:$0x3FB4]  }
0x2f: {  	lr =	sadd.s32 s0, s3;
	s0 =	sld [smem:$0x3FAB]  }
0x30: {  	s3 =	sld [smem:$0x3FAE]  }
0x31: {  	[smem:$0x3FB7] =	sst s10  }
0x32: {  	s10 =	sld [smem:$0x3FB5];
	_ =	sdelay $0x3  }
0x33: {  	p0 =	seq.s32 s10, $0x1;
	s10 =	sld [smem:$0x3FB7];
	_ =	sdelay $0x3  }
0x34: {  	[smem:$0x3FB7] =	sst s10  }
0x35: {  	s10 =	sld [smem:$0x3FB6];
	_ =	sdelay $0x3  }
0x36: {  	p1 =	seq.s32 s10, $0x1;
	s10 =	sld [smem:$0x3FB7];
	_ =	sdelay $0x3  }
0x37: {  	[smem:$0x3FB7] =	sst s10  }
0x38: {  	s10 =	sld [smem:$0x3FB8]  }
0x39: {  	_ = 	snop;
	(pc) =	sbr.ind lr, $3  }
0x3a: {  	_ = 	snop  }
0x3b: {  	_ = 	snop  }
0x3c: {  	p2 =	seq.s32 s10, $0x1;
	s10 =	sld [smem:$0x3FB7]  }
0x3d: {  	_ =	shalt  }
0x3e: {  	_ =	shalt  }
0x3f: {  	_ =	shalt  }
0x40: {  	_ =	shalt  }
0x41: {  	_ =	shalt  }
0x42: {  	_ =	shalt  }
0x43: {  	_ =	shalt  }
0x44: {  	_ =	shalt  }
0x45: {  	_ =	shalt  }
0x46: {  	_ =	shalt  }
0x47: {  	_ =	shalt  }
0x48: {  	_ =	shalt  }
0x49: {  	_ =	shalt  }
0x4a: {  	_ =	shalt  }
0x4b: {  	_ =	shalt  }
0x4c: {  	_ =	shalt  }
0x4d: {  	_ =	shalt  }
0x4e: {  	_ =	shalt  }
0x4f: {  	_ =	shalt  }
0x50: {  	_ =	shalt  }
0x51: {  	_ =	shalt  }
0x52: {  	_ =	shalt  }
0x53: {  	_ =	shalt  }
0x54: {  	_ =	shalt  }
0x55: {  	_ =	shalt  }
0x56: {  	_ =	shalt  }
0x57: {  	_ =	shalt  }
0x58: {  	_ =	shalt  }
0x59: {  	_ =	shalt  }
0x5a: {  	_ =	shalt  }
0x5b: {  	_ =	shalt  }
0x5c: {  	_ =	shalt  }
0x5d: {  	_ =	shalt  }
0x5e: {  	_ =	shalt  }
0x5f: {  	_ =	shalt  }
0x60: {  	_ =	shalt  }
0x61: {  	_ =	shalt  }
0x62: {  	_ =	shalt  }
0x63: {  	_ =	shalt  }
0x64: {  	_ =	shalt  }
0x65: {  	_ =	shalt  }
0x66: {  	_ =	shalt  }
0x67: {  	_ =	shalt  }
0x68: {  	_ =	shalt  }
0x69: {  	_ =	shalt  }
0x6a: {  	_ =	shalt  }
0x6b: {  	_ =	shalt  }
0x6c: {  	_ =	shalt  }
0x6d: {  	_ =	shalt  }
0x6e: {  	_ =	shalt  }
0x6f: {  	_ =	shalt  }
0x70: {  	_ =	shalt  }
0x71: {  	_ =	shalt  }
0x72: {  	_ =	shalt  }
0x73: {  	_ =	shalt  }
0x74: {  	_ =	shalt  }
0x75: {  	_ =	shalt  }
0x76: {  	_ =	shalt  }
0x77: {  	_ =	shalt  }
0x78: {  	_ =	shalt  }
0x79: {  	_ =	shalt  }
0x7a: {  	_ =	shalt  }
0x7b: {  	_ =	shalt  }
0x7c: {  	_ =	shalt  }
0x7d: {  	_ =	shalt  }
0x7e: {  	_ =	shalt  }
0x7f: {  	_ =	shalt  }
0x80: {  	_ =	shalt  }
0x81: {  	_ =	shalt  }
0x82: {  	_ =	shalt  }
0x83: {  	_ =	shalt  }
0x84: {  	_ =	shalt  }
0x85: {  	_ =	shalt  }
0x86: {  	_ =	shalt  }
0x87: {  	_ =	shalt  }
.Lfunc_end0:
.L_simem_size_0:
called_computation.1_lowered:
.L_overlay_start_0:
0x88: {  	s2 =	sld [smem:$0x3FD9]  }
0x89: {  	s3 =	sld [smem:$0x3FFE];
	_ =	sdelay $0x1  }
0x8a: {  	s1 =	srdreg.scid  }
0x8b: {  	s0 =	sand.u32 $0x1, s1  }
0x8c: {  	s17 =	sshll.u32 s0, $0xA;
	s2 =	sadd.s32 s3, s2  }
0x8d: {  	s2 =	sadd.s32 s2, s17  }
0x8e: {  	[smem:$0x3FC3] =	sst s2  }
0x8f: {  	_ = 	snop  }
0x90: {  	s2 =	sld [smem:$0x3FD0];
	(tm) =	ssettm $0x1  }
0x91: {  	s18 =	sld [smem:$0x3FFB];
	_ =	sdelay $0x3  }
0x92: {  	_ =	strace s18  }
0x93: {  	s3 =	sld [smem:$0x3FFC];
	_ =	sdelay $0x3  }
0x94: {  	_ =	strace s3  }
0x95: {  	s3 =	sld [smem:$0x3FFD];
	_ =	sdelay $0x3  }
0x96: {  	_ =	strace s3  }
0x97: {  	_ =	strace $0x8FFFFFFF  }
0x98: {  	s19 =	sld [smem:$0x3FDB];
	_ =	sdelay $0x1  }
0x99: {  	s4 =	simm.s32 $_scs_section_size  }
0x9a: {  	s5 =	simm.s32 $_size__tile_overlayer_lowered;
	s6 =	simm.s32 $_tile_overlayer_lowered  }
0x9b: {  	s22 =	simm.s32 $0x1BFF;
	s21 =	sshll.u32 s6, $0x1;
	s3 =	sadd.s32 s4, s19  }
0x9c: {  	s7 =	simm.s32 $0x0;
	s20 =	sshll.u32 s5, $0x1;
	s5 =	sadd.s32 s21, s3  }
0x9d: {  	[timem:s7], [sflag:s22] =	dma.local [hbm:s5], s20  }
0x9e: {  	_ =	swait.ge [sflag:s22], s20  }
0x9f: {  	s4 =	ssub.s32 $0x0, s20;
	[sflag:s22] =	ssyncset.done $0x0  }
0xa0: {  	[sflag:s22] =	ssyncadd.s32 s4;
	_ =	sdelay $0x1  }
0xa1: {  	s23 =	simm.s32 $0x1B8B  }
0xa2: {  	_ =	swait.ge [sflag:s23], $0x1  }
0xa3: {  	[sflag:s23] =	ssyncset.done $0x0  }
0xa4: {  	s25 =	simm.s32 $0x1B8E;
	s24 =	sld [smem:$0x3FFE];
	[sflag:s23] =	ssyncadd.s32 $0xFFFFFFFF  }
0xa5: {  	s26 =	simm.s32 $execute0_lowered;
	[smem:$0x3FD2] =	sst s25  }
0xa6: {  	s5 =	sshll.u32 s26, $0x1;
	_ =	strace $0x80000049;
	[dreg:$0x1] =	wrdreg $0xFFFFFFFF  }
0xa7: {  	s28 =	simm.s32 $_size_execute0_lowered;
	s3 =	sadd.s32 s3, s5;
	[dreg:$0x0] =	wrdreg $0x0  }
0xa8: {  	s5 =	sshll.u32 s28, $0x1;
	[dreg:$0x2] =	wrdreg s3  }
0xa9: {  	[dreg:$0x3] =	wrdreg s5  }
0xaa: {  	[dreg:$0x4] =	wrdreg $0xC0  }
0xab: {  	_ =	task [dreg:s7], $0x5FFFF  }
0xac: {  	[dreg:$0x1] =	wrdreg $0xFFFFFFFF  }
0xad: {  	[dreg:$0x0] =	wrdreg $0x60  }
0xae: {  	[dreg:$0x2] =	wrdreg s2  }
0xaf: {  	[dreg:$0x3] =	wrdreg s24  }
0xb0: {  	[dreg:$0x4] =	wrdreg $0x74400  }
0xb1: {  	[dreg:$0x5] =	wrdreg $0x9  }
0xb2: {  	_ =	task.clear_ibuf [dreg:s7], $0x6FFFF;
	_ =	strace $0x90000049  }
0xb3: {  	s29 =	simm.s32 $0x9;
	_ =	strace $0x8000004B  }
0xb4: {  	_ =	swait.ge [sflag:s29], $0x1  }
0xb5: {  	[sflag:s29] =	ssyncadd.s32 $0xFFFFFFFF  }
0xb6: {  	_ =	strace $0x9000004B  }
0xb7: {  	_ =	sfence  }
0xb8: {  	s30 =	sld [smem:$0x0];
	_ =	sdelay $0x2  }
0xb9: {  	s31 =	sshll.u32 s1, $0xD;
	s1 =	sshrl.u32 s1, $0x2  }
0xba: {  	s3 =	sand.u32 $0x4000, s31;
	s1 =	sadd.s32 s1, s30  }
0xbb: {  	s0 =	sor.u32 s3, s0;
	s1 =	sshll.u32 s1, $0x11  }
0xbc: {  	s0 =	sor.u32 s1, s0  }
0xbd: {  	s0 =	sadd.s32 $0x8F2B, s0  }
0xbe: {  	[sflag:s0] =	ssyncadd.remote.s32 $0x1  }
0xbf: {  	_ =	sfence.sel $0xFFFF  }
0xc0: {  	[dreg:$0x0] =	wrdreg $0xFFFFFFFF;
	(pc) =	sbr.abs _section_cstart, $3  }
0xc1: {  	[dreg:$0x1] =	wrdreg $0xFFFFFFFF  }
0xc2: {  	_ =	task.clear_ibuf [dreg:s7], $0x2FFFF;
	_ =	strace $0x9FFFFFFF  }
0xc3: {  	(tm) =	ssettm $0x7FFFFFFF  }
tec
execute0_lowered:
.L_overlay_start_1:
0x0: {  	(tag) =	ssettag $0x1  }
0x1: {  	s1 =	rddreg [dreg:$0x0]  }
0x2: {  	s0 =	rddreg [dreg:$0x1]  }
0x3: {  	s2 =	rddreg [dreg:$0x2];
	s3 =	srdreg.scid;
	s4 =	simm.s32 $0x0  }
0x4: {  	s11 =	stileid.u32;
	s28 =	simm.s32 $0x2;
	s29 =	simm.s32 $0x5  }
0x5: {  	s30 =	simm.s32 $0x6;
	s31 =	simm.s32 $0x0;
	s3 =	sand.u32 $0x1, s3  }
0x6: {  	[smem:$0x7FF] =	sst s4;
	s9 =	smul.u32 $0x14000, s11;
	s5 =	sadd.s32 $0x16800, s0  }
0x7: {  	s6 =	sadd.s32 $0xC400, s0;
	s7 =	sadd.s32 $0x1E00, s0;
	s10 =	smul.u32 $0x50000, s11  }
0x8: {  	s22 =	sshll.u32 s11, $0x6;
	s8 =	smul.u32 $0x140000, s3;
	_ =	strace $0x8000004A  }
0x9: {  	s19 =	ssub.s32 $0x2, s3;
	s3 =	sshll.u32 s3, $0x4;
	[dreg:$0x4] =	wrdreg s22  }
0xa: {  	s20 =	sshrl.u32 s19, $0x1;
	s3 =	sor.u32 s11, s3;
	s21 =	sshrl.u32 s10, $0x2  }
0xb: {  	s8 =	sadd.s32 s9, s8;
	s15 =	sadd.s32 s21, s2;
	s3 =	smul.u32 $0x28A0, s3  }
0xc: {  	s9 =	sor.u32 $0x1C03, s22;
	s21 =	simm.s32 $0x3;
	s22 =	simm.s32 $0x64  }
0xd: {  	s8 =	sshrl.u32 s8, $0x3;
	s16 =	sadd.s32 $0x4000, s15;
	s17 =	sadd.s32 $0x8000, s15  }
0xe: {  	s18 =	sadd.s32 $0xC000, s15;
	s0 =	sadd.s32 s8, s0;
	s8 =	ssub.s32 s19, s20  }
0xf: {  	s19 =	sadd.s32 $0x10000, s15;
	s23 =	sshrl.u32 s3, $0x3;
	s12 =	sadd.s32 $0x410, s3  }
0x10: {  	s15 =	sshrl.u32 s15, $0x3;
	s16 =	sshrl.u32 s16, $0x3;
	s24 =	sadd.s32 s5, s23  }
.Ltmp0:
0x11: {  	s25 =	sadd.s32 s6, s23;
	[dreg:$0x5] =	wrdreg s24;
	(pc) =	sbr.rel .LBB2_1-.Ltmp0, $4  }
0x12: {  	s17 =	sshrl.u32 s17, $0x3;
	s0 =	sadd.s32 $0x20C00, s0;
	[dreg:$0x6] =	wrdreg s25  }
0x13: {  	s18 =	sshrl.u32 s18, $0x3;
	s26 =	smax.u32 s8, $0x1;
	[dreg:$0x7] =	wrdreg s0  }
0x14: {  	s19 =	sshrl.u32 s19, $0x3;
	s23 =	simm.s32 $0x1040;
	[dreg:$0x8] =	wrdreg s26  }
0x15: {  	s24 =	simm.s32 $0x1;
	s25 =	simm.s32 $0x4240;
	s26 =	simm.s32 $0x4  }
.LBB2_7:
0x16: {  	_ =	swait.ge [sflag:s26], $0x3200  }
0x17: {  	[sflag:s26] =	ssyncset.done $0x0  }
0x18: {  	[sflag:s26] =	ssyncadd.s32 $0xFFFFCE00  }
0x19: {  	_ =	swait.ge [sflag:s29], $0x3200  }
0x1a: {  	[sflag:s29] =	ssyncset.done $0x0  }
0x1b: {  	[sflag:s29] =	ssyncadd.s32 $0xFFFFCE00  }
0x1c: {  	[bflag:$0x0] =	sbarrier.arrive $0xFFFF  }
0x1d: {  	s0 =	rddreg [dreg:$0x4]  }
0x1e: {  	s3 =	rddreg [dreg:$0x7];
	s0 =	sor.u32 $0x1C06, s0  }
0x1f: {  	[hbm:s3], [sflag:s0] =	dma.local [spmem:s15], $0x2800  }
0x20: {  	_ =	swait.ge [sflag:s30], $0x2800  }
0x21: {  	s31 =	sadd.s32 $0x1, s31;
	s20 =	rddreg [dreg:$0x8]  }
0x22: {  	p0 =	sne.s32 s31, s20  }
.Ltmp1:
0x23: {  	_ = 	snop;
	(pc) =	sbr.rel @!p0 .LBB2_8-.Ltmp1, $3  }
0x24: {  	_ =	sdelay $0x1  }
0x25: {  	[sflag:s30] =	ssyncset.done $0x0  }
0x26: {  	[sflag:s30] =	ssyncadd.s32 $0xFFFFD800  }
.LBB2_1:
0x27: {  	[spmem:s15], [sflag:s9] =	dma.local [hbm:s7], $0x800  }
0x28: {  	[spmem:s16], [sflag:s9] =	dma.local [hbm:s7], $0x800  }
0x29: {  	[spmem:s17], [sflag:s9] =	dma.local [hbm:s7], $0x800  }
0x2a: {  	[spmem:s18], [sflag:s9] =	dma.local [hbm:s7], $0x800  }
0x2b: {  	[spmem:s19], [sflag:s9] =	dma.local [hbm:s7], $0x800  }
0x2c: {  	s0 =	rddreg [dreg:$0x5]  }
0x2d: {  	[tilespmem:s4], [sflag:$0x3] =	stream.linear.gather [hbm4b:s0+s4], $0x410, $0x38;
	[tilespmem:$0x1B440] =	vst v63  }
0x2e: {  	s3 =	simm.s32 $0x820;
	s20 =	rddreg [dreg:$0x6]  }
0x2f: {  	[tilespmem:s3], [sflag:$0x3] =	stream.linear.gather [hbm4b:s20+s4], $0x410, $0x38;
	[tilespmem:$0x1B440] =	vst v63  }
0x30: {  	_ =	swait.ge [sflag:s21], $0x800  }
0x31: {  	[sflag:s21] =	ssyncset.done $0x0  }
0x32: {  	[sflag:s21] =	ssyncadd.s32 $0xFFFFF800  }
0x33: {  	_ =	swait.ge [sflag:s21], $0x800  }
0x34: {  	[sflag:s21] =	ssyncset.done $0x0  }
0x35: {  	[sflag:s21] =	ssyncadd.s32 $0xFFFFF800  }
0x36: {  	_ =	swait.ge [sflag:s21], $0x800  }
0x37: {  	[sflag:s21] =	ssyncset.done $0x0  }
0x38: {  	[sflag:s21] =	ssyncadd.s32 $0xFFFFF800  }
0x39: {  	_ =	swait.ge [sflag:s21], $0x800  }
0x3a: {  	[sflag:s21] =	ssyncset.done $0x0  }
0x3b: {  	[sflag:s21] =	ssyncadd.s32 $0xFFFFF800  }
0x3c: {  	_ =	swait.ge [sflag:s21], $0x800  }
0x3d: {  	[sflag:s21] =	ssyncset.done $0x0  }
0x3e: {  	[sflag:s21] =	ssyncadd.s32 $0xFFFFF800  }
0x3f: {  	_ =	swait.ge [sflag:s21], $0x410  }
0x40: {  	[sflag:s21] =	ssyncset.done $0x0  }
0x41: {  	[sflag:s21] =	ssyncadd.s32 $0xFFFFFBF0  }
.Ltmp2:
0x42: {  	_ =	swait.ge [sflag:s21], $0x410;
	(pc) =	sbr.rel .LBB2_2-.Ltmp2, $4  }
0x43: {  	[sflag:s21] =	ssyncset.done $0x0  }
0x44: {  	[sflag:s21] =	ssyncadd.s32 $0xFFFFFBF0  }
0x45: {  	s0 =	simm.s32 $0x0;
	[bflag:$0x0] =	sbarrier.arrive $0xFFFF  }
0x46: {  	[tilespmem:s23], [sflag:$0x1] =	stream.indirect.gather [hbm4b:s1+s22], $0x80, s4, s22, $0xb8;
	[tilespmem:$0x1B440] =	vst v63  }
.LBB2_3:
0x47: {  	_ =	swait.ge [sflag:s21], $0x410  }
0x48: {  	[sflag:s21] =	ssyncset.done $0x0  }
0x49: {  	[sflag:s21] =	ssyncadd.s32 $0xFFFFFBF0  }
0x4a: {  	_ =	swait.ge [sflag:s21], $0x410  }
0x4b: {  	[sflag:s21] =	ssyncset.done $0x0  }
0x4c: {  	[sflag:s21] =	ssyncadd.s32 $0xFFFFFBF0  }
.LBB2_5:
0x4d: {  	s8 =	sand.u32 $0xFF, s8  }
0x4e: {  	s10 =	sand.u32 $0x1, s20;
	s8 =	smul.u32 $0x1A0, s8  }
0x4f: {  	_ =	swait.ge [sflag:s26], $0x3200;
	p0 =	seq.s32 s10, $0x1;
	s10 =	simm.s32 $0x410  }
0x50: {  	[sflag:s26] =	ssyncset.done $0x0;
	s10 =	simm.s32 @!p0 $0x0;
	s8 =	sshrl.u32 s8, $0x2  }
0x51: {  	[sflag:s26] =	ssyncadd.s32 $0xFFFFCE00;
	s8 =	sadd.s32 s8, s10  }
0x52: {  	[tilespmem:s23], [sflag:$0x1] =	stream.indirect.gather [hbm4b:s1+s22], $0x80, s8, s22, $0xb8;
	[tilespmem:$0x1B440] =	vst v63  }
.LBB2_6:
0x53: {  	s0 =	sadd.s32 $0x1, s0  }
0x54: {  	p0 =	sne.s32 s0, $0x32  }
.Ltmp3:
0x55: {  	_ = 	snop;
	(pc) =	sbr.rel @!p0 .LBB2_7-.Ltmp3, $4  }
0x56: {  	_ =	swait.ge [sflag:s28], $0x3200  }
0x57: {  	[sflag:s28] =	ssyncset.done $0x0  }
0x58: {  	s3 =	sadd.s32 $0x820, s3;
	[sflag:s28] =	ssyncadd.s32 $0xFFFFCE00  }
0x59: {  	[spmem:s2] =	stream.indirect.scatter.add.f32 [tilespmem:s25], [sflag:$0x5], $0x80, s3, s22, $0xb8;
	[tilespmem:$0x1B440] =	vst v63  }
.LBB2_2:
0x5a: {  	s8 =	sshll.u32 s0, $0x1  }
0x5b: {  	s3 =	sand.u32 $0xFE, s8  }
0x5c: {  	s3 =	smul.u32 $0xCD, s3;
	_ =	sdelay $0x1  }
0x5d: {  	s3 =	sshrl.u32 s3, $0xB  }
0x5e: {  	s3 =	smul.u32 $0xA, s3;
	_ =	sdelay $0x1  }
0x5f: {  	s20 =	sand.u32 $0xFF, s0;
	p0 =	sgt.u32 s0, $0x2C;
	s3 =	ssub.s32 s8, s3  }
0x60: {  	s20 =	smul.u32 $0xCD, s20;
	s10 =	sand.u32 @!p0 $0xFF, s3  }
0x61: {  	p1 =	sne.s32 @!p0 s10, $0x0  }
0x62: {  	s10 =	sshrl.u32 s20, $0xA;
	p0 =	por p1, p0  }
0x63: {  	s20 =	smul.u32 @!p0 $0x410, s10  }
0x64: {  	_ =	swait.ge [sflag:s24], $0x3200;
	s10 =	sand.u32 $0x1, s10  }
0x65: {  	[sflag:s24] =	ssyncset.done $0x0;
	s11 =	sxor.u32 @!p0 $0x1, s10;
	s20 =	sadd.s32 @!p0 s20, s12  }
0x66: {  	[sflag:s24] =	ssyncadd.s32 $0xFFFFCE00;
	s11 =	smul.u32 @!p0 $0x410, s11;
	s20 =	sshrl.u32 @!p0 s20, $0x3  }
0x67: {  	s14 =	simm.s32 @!p0 $0x0;
	s10 =	smul.u32 $0x410, s10;
	s13 =	sadd.s32 @!p0 s5, s20  }
0x68: {  	[tilespmem:s11], [sflag:$0x3] =	stream.linear.gather @!p0 [hbm4b:s13+s14], $0x410, $0x38;
	[tilespmem:$0x1B440] =	vst v63  }
0x69: {  	s11 =	sadd.s32 @!p0 $0x820, s11;
	s13 =	sadd.s32 @!p0 s6, s20;
	s20 =	sand.u32 $0xFE, s3  }
0x6a: {  	[tilespmem:s11], [sflag:$0x3] =	stream.linear.gather @!p0 [hbm4b:s13+s14], $0x410, $0x38;
	[tilespmem:$0x1B440] =	vst v63  }
0x6b: {  	p0 =	seq.s32 s0, $0x0;
	s14 =	smul.u32 $0x68, s20  }
0x6c: {  	s8 =	sadd.s32 $0x2, s8;
	s11 =	smul.u32 $0x1A0, s20;
	s3 =	simm.s32 @!p0 $0x5  }
0x6d: {  	s20 =	sand.u32 $0xFF, s8;
	_ =	swait.ge @!p0 [sflag:s3], $0x3200  }
0x6e: {  	s13 =	sadd.s32 s10, s14;
	s11 =	sshrl.u32 s11, $0x2;
	[sflag:s3] =	ssyncset.done @!p0 $0x0  }
0x6f: {  	[sflag:s3] =	ssyncadd.s32 @!p0 $0xFFFFCE00;
	s3 =	sadd.s32 $0x68, s13;
	s13 =	smul.u32 $0xCD, s20  }
0x70: {  	[tilespmem:s25], [sflag:$0x2] =	stream.indirect.gather [hbm4b:s1+s22], $0x80, s3, s22, $0xb8;
	[tilespmem:$0x1B440] =	vst v63  }
0x71: {  	s10 =	sadd.s32 s11, s10;
	s20 =	sshrl.u32 s13, $0xB  }
0x72: {  	s10 =	sadd.s32 $0x820, s10;
	s14 =	smul.u32 $0xA, s20  }
0x73: {  	[spmem:s2] =	stream.indirect.scatter.add.f32 [tilespmem:s23], [sflag:$0x4], $0x80, s10, s22, $0xb8;
	[tilespmem:$0x1B440] =	vst v63  }
0x74: {  	p0 =	seq.s32 s0, $0x31;
	s8 =	ssub.s32 s8, s14  }
0x75: {  	s10 =	sand.u32 @!p0 $0xFF, s8  }
0x76: {  	p1 =	sne.s32 @!p0 s10, $0x0  }
0x77: {  	p1 =	por p0, p1  }
.Ltmp4:
0x78: {  	_ = 	snop;
	(pc) =	sbr.rel @!p1 .LBB2_3-.Ltmp4, $1  }
0x79: {  	_ =	sdelay $0x3  }
.Ltmp5:
0x7a: {  	(pc) =	sbr.rel @p0 .LBB2_6-.Ltmp5, $4  }
.Ltmp6:
0x7b: {  	(pc) =	sbr.rel @!p0 .LBB2_5-.Ltmp6, $4  }
0x7c: {  	_ = 	snop  }
0x7d: {  	_ = 	snop  }
0x7e: {  	_ = 	snop  }
0x7f: {  	_ = 	snop  }
.LBB2_8:
0x80: {  	_ =	sfence.sel $0x180000  }
0x81: {  	[bflag:$0x0] =	sbarrier.arrive $0xFFFF  }
0x82: {  	_ =	strace $0x9000004A  }
0x83: {  	s0 =	stileid.u32;
	[bflag:$0x2] =	sbarrier.arrive $0xFFFF  }
0x84: {  	p0 =	sne.s32 s0, $0x0;
	s0 =	rddreg [dreg:$0x3]  }
0x85: {  	s0 =	sadd.s32 @!p0 $0x100000, s0  }
0x86: {  	[sflag:s0] =	ssyncadd.tile.s32 @!p0 $0x1;
	_ =	shalt  }
.Lfunc_end2:
_tile_overlayer_lowered:
.L_overlay_start_2:
0x87: {  	(tag) =	ssettag $0x2  }
0x88: {  	s0 =	rddreg [dreg:$0x0];
	s2 =	stileid.u32  }
0x89: {  	s1 =	rddreg [dreg:$0x1];
	p0 =	sne.s32 s2, $0x0  }
0x8a: {  	s3 =	rddreg [dreg:$0x2];
	[bflag:$0x3] =	sbarrier.arrive $0xFFFF;
	s2 =	simm.s32 @!p0 $0x1C06  }
0x8b: {  	[timem:s3], [sflag:s2] =	dma.local @!p0 [hbm:s0], s1  }
0x8c: {  	s0 =	simm.s32 @!p0 $0x6  }
0x8d: {  	_ =	swait.ge @!p0 [sflag:s0], s1  }
0x8e: {  	s1 =	ssub.s32 @!p0 $0x0, s1;
	[sflag:s0] =	ssyncset.done @!p0 $0x0  }
0x8f: {  	[sflag:s0] =	ssyncadd.s32 @!p0 s1  }
0x90: {  	[bflag:$0x3] =	sbarrier.arrive $0xFFFF  }
0x91: {  	_ =	shalt  }

</sc_bundles>
